<compile_context>
chip_gen: v7x
topology: tpu7x:2x2x1
jax: 0.10.2.dev20260603
libtpu: 0.0.44.dev20260713+nightly
codegen_flags: <defaults>
</compile_context>

<pallas_src>
import functools

import jax
import jax.numpy as jnp
from jax import lax
from jax.experimental import pallas as pl
from jax.experimental.pallas import tpu as pltpu
from jax.experimental.pallas import tpu_sc as plsc

BATCH = 16384
D = 128
GATHER_WINDOW = 128
CHUNK_SIZES = (8192, 8192)
MLP_BLOCK = 2048


NUM_CORES = 2
NUM_SUBCORES = 16
NUM_WORKERS = NUM_CORES * NUM_SUBCORES


def _gather_body(wins_per_worker, uf_hbm, if_hbm, ui_hbm, ii_hbm,
                 ue_hbm, ie_hbm, idx_u, idx_i, ru, ri, gsem, wsem):
    w = GATHER_WINDOW
    rows_per_worker = wins_per_worker * w
    wid = lax.axis_index("s") * NUM_CORES + lax.axis_index("c")
    base_win = wid * wins_per_worker
    pltpu.sync_copy(ui_hbm.at[pl.ds(base_win, wins_per_worker)], idx_u)
    pltpu.sync_copy(ii_hbm.at[pl.ds(base_win, wins_per_worker)], idx_i)
    gu, gi = [], []
    for j in range(wins_per_worker):
        gu.append(pltpu.make_async_copy(
            uf_hbm.at[idx_u.at[j]], ru.at[pl.ds(j * w, w)], gsem.at[2 * j]))
        gi.append(pltpu.make_async_copy(
            if_hbm.at[idx_i.at[j]], ri.at[pl.ds(j * w, w)],
            gsem.at[2 * j + 1]))
    for c in gu + gi:
        c.start()
    base_row = wid * rows_per_worker
    for c in gu:
        c.wait()
    wu = pltpu.make_async_copy(
        ru, ue_hbm.at[pl.ds(base_row, rows_per_worker)], wsem.at[0])
    wu.start()
    for c in gi:
        c.wait()
    wi = pltpu.make_async_copy(
        ri, ie_hbm.at[pl.ds(base_row, rows_per_worker)], wsem.at[1])
    wi.start()
    wu.wait()
    wi.wait()


def _sc_gather(user_factors, item_factors, user2d, item2d):
    n = user2d.shape[0] * GATHER_WINDOW
    wins_per_worker = user2d.shape[0] // NUM_WORKERS
    rows_per_worker = wins_per_worker * GATHER_WINDOW
    mesh = plsc.VectorSubcoreMesh(core_axis_name="c", subcore_axis_name="s")
    f = pl.kernel(
        functools.partial(_gather_body, wins_per_worker),
        out_type=(
            jax.ShapeDtypeStruct((n, D), jnp.float32),
            jax.ShapeDtypeStruct((n, D), jnp.float32),
        ),
        mesh=mesh,
        scratch_types=[
            pltpu.VMEM((wins_per_worker, GATHER_WINDOW), jnp.int32),
            pltpu.VMEM((wins_per_worker, GATHER_WINDOW), jnp.int32),
            pltpu.VMEM((rows_per_worker, D), jnp.float32),
            pltpu.VMEM((rows_per_worker, D), jnp.float32),
            pltpu.SemaphoreType.DMA((2 * wins_per_worker,)),
            pltpu.SemaphoreType.DMA((2,)),
        ],
    )
    return f(user_factors, item_factors, user2d, item2d)


def _mlp_body(ue_ref, ie_ref, w1u_ref, w1i_ref, b1_ref, w2_ref, b2_ref,
              w3_ref, b3_ref, o_ref):
    dn = (((1,), (1,)), ((), ()))
    h = lax.dot_general(ue_ref[...], w1u_ref[...], dn,
                        preferred_element_type=jnp.float32)
    h = h + lax.dot_general(ie_ref[...], w1i_ref[...], dn,
                            preferred_element_type=jnp.float32)
    h = jnp.maximum(h + b1_ref[...][None, :], 0.0)
    h = lax.dot_general(h, w2_ref[...], dn, preferred_element_type=jnp.float32)
    h = jnp.maximum(h + b2_ref[...][None, :], 0.0)
    h = lax.dot_general(w3_ref[...], h, dn, preferred_element_type=jnp.float32)
    o_ref[...] = jax.nn.sigmoid(h + b3_ref[...][:, None])


def _tc_mlp(ue, ie, W1, b1, W2, b2, W3, b3):
    n = ue.shape[0]
    blk = min(MLP_BLOCK, n)
    full = lambda shape: pl.BlockSpec(shape, lambda i: tuple(0 for _ in shape))
    return pl.pallas_call(
        _mlp_body,
        grid=(n // blk,),
        in_specs=[
            pl.BlockSpec((blk, D), lambda i: (i, 0)),
            pl.BlockSpec((blk, D), lambda i: (i, 0)),
            pl.BlockSpec((D, D), lambda i: (0, 0)),
        pl.BlockSpec((D, D), lambda i: (0, 1)),
        full(b1.shape),
            full(W2.shape), full(b2.shape), full(W3.shape), full(b3.shape),
        ],
        out_specs=pl.BlockSpec((2, blk), lambda i: (0, i)),
        out_shape=jax.ShapeDtypeStruct((2, n), jnp.float32),
    )(ue, ie, W1, W1, b1, W2, b2, W3, b3)


def kernel(user, item, user_factors, item_factors, W1, b1, W2, b2, W3, b3):
    user2d = user.astype(jnp.int32).reshape(
        BATCH // GATHER_WINDOW, GATHER_WINDOW)
    item2d = item.astype(jnp.int32).reshape(
        BATCH // GATHER_WINDOW, GATHER_WINDOW)
    embs = []
    off = 0
    for c in CHUNK_SIZES:
        nw = c // GATHER_WINDOW
        embs.append(_sc_gather(
            user_factors, item_factors,
            lax.slice_in_dim(user2d, off, off + nw),
            lax.slice_in_dim(item2d, off, off + nw)))
        off += nw
    outs = [
        _tc_mlp(ue, ie, W1, b1, W2, b2, W3, b3) for ue, ie in embs
    ]
    return jnp.concatenate(outs, axis=1).T

# --- scband reference (transcript-rebuilt; emitter-appended) ---
"""Pipeline reference for scband-matrix-factorization-model-15891378995677 (READ-ONLY COPY).

The authoritative reference and input builder live on the scoring server;
editing this copy changes nothing except your own understanding.
"""

import jax, jax.numpy as jnp
import numpy as np

NUM_USERS = 100000
NUM_ITEMS = 100000
NUM_FACTORS = 128
BATCH = 16384


def setup_inputs(seed: int = 0) -> dict:
    key = jax.random.key(seed)
    ks = jax.random.split(key, 12)
    user = jax.random.randint(ks[0], (BATCH,), 0, NUM_USERS, dtype=jnp.int64) if jax.config.jax_enable_x64 else jax.random.randint(ks[0], (BATCH,), 0, NUM_USERS, dtype=jnp.int32)
    item = jax.random.randint(ks[1], (BATCH,), 0, NUM_ITEMS, dtype=user.dtype)
    # xavier-uniform-like init for embeddings
    lim_u = float(np.sqrt(6.0 / (NUM_USERS + NUM_FACTORS)))
    lim_i = float(np.sqrt(6.0 / (NUM_ITEMS + 1 + NUM_FACTORS)))
    user_factors = jax.random.uniform(ks[2], (NUM_USERS, NUM_FACTORS), jnp.float32, -lim_u, lim_u)
    item_factors = jax.random.uniform(ks[3], (NUM_ITEMS + 1, NUM_FACTORS), jnp.float32, -lim_i, lim_i)
    def lin_init(k, out_f, in_f):
        lim = float(np.sqrt(1.0 / in_f))
        kw, kb = jax.random.split(k)
        W = jax.random.uniform(kw, (out_f, in_f), jnp.float32, -lim, lim)
        b = jax.random.uniform(kb, (out_f,), jnp.float32, -lim, lim)
        return W, b
    W1, b1 = lin_init(ks[4], NUM_FACTORS, 2 * NUM_FACTORS)
    W2, b2 = lin_init(ks[5], NUM_FACTORS, NUM_FACTORS)
    W3, b3 = lin_init(ks[6], 2, NUM_FACTORS)
    return {
        "user": user, "item": item,
        "user_factors": user_factors, "item_factors": item_factors,
        "W1": W1, "b1": b1, "W2": W2, "b2": b2, "W3": W3, "b3": b3,
    }


def reference(user, item, user_factors, item_factors, W1, b1, W2, b2, W3, b3):
    user_embedding = jnp.take(user_factors, user, axis=0)
    item_embedding = jnp.take(item_factors, item, axis=0)
    x = jnp.concatenate([user_embedding, item_embedding], axis=1)
    x = jax.nn.relu(x @ W1.T + b1)
    x = jax.nn.relu(x @ W2.T + b2)
    x = jax.nn.sigmoid(x @ W3.T + b3)
    return x

if __name__ == "__main__":
    import jax
    _d = setup_inputs()
    print(jax.jit(kernel)(*tuple(_d.values())))

</pallas_src>

<mosaic_0001>
#map = affine_map<(d0, d1) -> (0, 0)>
module attributes {stable_mosaic.version = 14 : i64} {
  func.func @_gather_body(%arg0: i32, %arg1: i32, %arg2: memref<100000x128xf32, #tpu.memory_space<hbm>>, %arg3: memref<100001x128xf32, #tpu.memory_space<hbm>>, %arg4: memref<64x128xi32, #tpu.memory_space<hbm>>, %arg5: memref<64x128xi32, #tpu.memory_space<hbm>>, %arg6: memref<8192x128xf32, #tpu.memory_space<hbm>>, %arg7: memref<8192x128xf32, #tpu.memory_space<hbm>>, %arg8: memref<2x128xi32, #tpu.memory_space<vmem>>, %arg9: memref<2x128xi32, #tpu.memory_space<vmem>>, %arg10: memref<256x128xf32, #tpu.memory_space<vmem>>, %arg11: memref<256x128xf32, #tpu.memory_space<vmem>>, %arg12: memref<4x!tpu.dma_semaphore, #tpu.memory_space<semaphore_mem>>, %arg13: memref<2x!tpu.dma_semaphore, #tpu.memory_space<semaphore_mem>>) attributes {dimension_semantics = [#tpu.dimension_semantics<core_parallel>, #tpu.dimension_semantics<subcore_parallel>], iteration_bounds = array<i64: 2, 16>, scalar_prefetch = 0 : i64, scratch_operands = 6 : i64, tpu.core_type = #tpu.core_type<sc_vector_subcore>, window_params = [{transform_indices = #map}, {transform_indices = #map}, {transform_indices = #map}, {transform_indices = #map}, {transform_indices = #map}, {transform_indices = #map}]} {
    %mul3A = arith.constant 2 : i32
    %mul3A_0 = arith.muli %arg1, %mul3A : i32
    %add3A = arith.addi %mul3A_0, %arg0 : i32
    %mul3A_1 = arith.constant 2 : i32
    %mul3A_2 = arith.muli %add3A, %mul3A_1 : i32
    "tpu.region"() ({
      %run_scoped3A = tpu.sem_alloc : memref<!tpu.dma_semaphore, #tpu.memory_space<semaphore_mem>>
      %dma_start3A_135 = arith.constant 0 : i32
      %dma_start3A_136 = tpu.memref_slice %arg4[%mul3A_2, %dma_start3A_135] : memref<64x128xi32, #tpu.memory_space<hbm>> -> memref<2x128xi32, #tpu.memory_space<hbm>>
      %dma_start3A_137 = arith.constant 0 : i32
      %dma_start3A_138 = tpu.memref_slice %arg4[%mul3A_2, %dma_start3A_137] : memref<64x128xi32, #tpu.memory_space<hbm>> -> memref<2x128xi32, #tpu.memory_space<hbm>>
      tpu.enqueue_dma source(%dma_start3A_138 : memref<2x128xi32, #tpu.memory_space<hbm>>) target(%arg8 : memref<2x128xi32, #tpu.memory_space<vmem>>) target_semaphore(%run_scoped3A : memref<!tpu.dma_semaphore, #tpu.memory_space<semaphore_mem>>)
      %dma_wait3A_139 = arith.constant 0 : i32
      %dma_wait3A_140 = tpu.memref_slice %arg4[%mul3A_2, %dma_wait3A_139] : memref<64x128xi32, #tpu.memory_space<hbm>> -> memref<2x128xi32, #tpu.memory_space<hbm>>
      %dma_wait3A_141 = arith.constant 0 : i32
      %dma_wait3A_142 = tpu.memref_slice %arg4[%mul3A_2, %dma_wait3A_141] : memref<64x128xi32, #tpu.memory_space<hbm>> -> memref<2x128xi32, #tpu.memory_space<hbm>>
      tpu.wait_dma2 semaphore(%run_scoped3A : memref<!tpu.dma_semaphore, #tpu.memory_space<semaphore_mem>>) src(%dma_wait3A_142 : memref<2x128xi32, #tpu.memory_space<hbm>>) dst(%arg8 : memref<2x128xi32, #tpu.memory_space<vmem>>)
      tpu.yield
    }) : () -> ()
    "tpu.region"() ({
      %run_scoped3A = tpu.sem_alloc : memref<!tpu.dma_semaphore, #tpu.memory_space<semaphore_mem>>
      %dma_start3A_135 = arith.constant 0 : i32
      %dma_start3A_136 = tpu.memref_slice %arg5[%mul3A_2, %dma_start3A_135] : memref<64x128xi32, #tpu.memory_space<hbm>> -> memref<2x128xi32, #tpu.memory_space<hbm>>
      %dma_start3A_137 = arith.constant 0 : i32
      %dma_start3A_138 = tpu.memref_slice %arg5[%mul3A_2, %dma_start3A_137] : memref<64x128xi32, #tpu.memory_space<hbm>> -> memref<2x128xi32, #tpu.memory_space<hbm>>
      tpu.enqueue_dma source(%dma_start3A_138 : memref<2x128xi32, #tpu.memory_space<hbm>>) target(%arg9 : memref<2x128xi32, #tpu.memory_space<vmem>>) target_semaphore(%run_scoped3A : memref<!tpu.dma_semaphore, #tpu.memory_space<semaphore_mem>>)
      %dma_wait3A_139 = arith.constant 0 : i32
      %dma_wait3A_140 = tpu.memref_slice %arg5[%mul3A_2, %dma_wait3A_139] : memref<64x128xi32, #tpu.memory_space<hbm>> -> memref<2x128xi32, #tpu.memory_space<hbm>>
      %dma_wait3A_141 = arith.constant 0 : i32
      %dma_wait3A_142 = tpu.memref_slice %arg5[%mul3A_2, %dma_wait3A_141] : memref<64x128xi32, #tpu.memory_space<hbm>> -> memref<2x128xi32, #tpu.memory_space<hbm>>
      tpu.wait_dma2 semaphore(%run_scoped3A : memref<!tpu.dma_semaphore, #tpu.memory_space<semaphore_mem>>) src(%dma_wait3A_142 : memref<2x128xi32, #tpu.memory_space<hbm>>) dst(%arg9 : memref<2x128xi32, #tpu.memory_space<vmem>>)
      tpu.yield
    }) : () -> ()
    %dma_start3A = arith.constant 0 : i32
    %dma_start3A_3 = arith.constant 0 : i32
    %dma_start3A_4 = arith.constant 0 : i32
    %dma_start3A_5 = arith.constant 0 : i32
    %dma_start3A_6 = tpu.memref_slice %arg10[%dma_start3A_4, %dma_start3A_5] : memref<256x128xf32, #tpu.memory_space<vmem>> -> memref<128x128xf32, #tpu.memory_space<vmem>>
    %dma_start3A_7 = arith.constant 0 : i32
    %dma_start3A_8 = tpu.memref_slice %arg8[%dma_start3A, %dma_start3A_7] : memref<2x128xi32, #tpu.memory_space<vmem>> -> memref<1x128xi32, #tpu.memory_space<vmem>>
    %dma_start3A_9 = tpu.memref_squeeze %dma_start3A_8 : memref<1x128xi32, #tpu.memory_space<vmem>> -> memref<128xi32, #tpu.memory_space<vmem>>
    %dma_start3A_10 = arith.constant 0 : i32
    %dma_start3A_11 = arith.constant 0 : i32
    %dma_start3A_12 = tpu.memref_slice %arg2[%dma_start3A_10, %dma_start3A_11] : memref<100000x128xf32, #tpu.memory_space<hbm>> -> memref<100000x128xf32, #tpu.memory_space<hbm>>
    %dma_start3A_13 = tpu.memref_slice %arg12[%dma_start3A_3] : memref<4x!tpu.dma_semaphore, #tpu.memory_space<semaphore_mem>> -> memref<1x!tpu.dma_semaphore, #tpu.memory_space<semaphore_mem>>
    %dma_start3A_14 = tpu.memref_squeeze %dma_start3A_13 : memref<1x!tpu.dma_semaphore, #tpu.memory_space<semaphore_mem>> -> memref<!tpu.dma_semaphore, #tpu.memory_space<semaphore_mem>>
    tpu.enqueue_indirect_dma source(%dma_start3A_12 : memref<100000x128xf32, #tpu.memory_space<hbm>>) target(%dma_start3A_6 : memref<128x128xf32, #tpu.memory_space<vmem>>) offsets(%dma_start3A_9 : memref<128xi32, #tpu.memory_space<vmem>>) semaphore(%dma_start3A_14 : memref<!tpu.dma_semaphore, #tpu.memory_space<semaphore_mem>>)
    %dma_start3A_15 = arith.constant 1 : i32
    %dma_start3A_16 = arith.constant 2 : i32
    %dma_start3A_17 = arith.constant 128 : i32
    %dma_start3A_18 = arith.constant 0 : i32
    %dma_start3A_19 = tpu.memref_slice %arg10[%dma_start3A_17, %dma_start3A_18] : memref<256x128xf32, #tpu.memory_space<vmem>> -> memref<128x128xf32, #tpu.memory_space<vmem>>
    %dma_start3A_20 = arith.constant 0 : i32
    %dma_start3A_21 = tpu.memref_slice %arg8[%dma_start3A_15, %dma_start3A_20] : memref<2x128xi32, #tpu.memory_space<vmem>> -> memref<1x128xi32, #tpu.memory_space<vmem>>
    %dma_start3A_22 = tpu.memref_squeeze %dma_start3A_21 : memref<1x128xi32, #tpu.memory_space<vmem>> -> memref<128xi32, #tpu.memory_space<vmem>>
    %dma_start3A_23 = arith.constant 0 : i32
    %dma_start3A_24 = arith.constant 0 : i32
    %dma_start3A_25 = tpu.memref_slice %arg2[%dma_start3A_23, %dma_start3A_24] : memref<100000x128xf32, #tpu.memory_space<hbm>> -> memref<100000x128xf32, #tpu.memory_space<hbm>>
    %dma_start3A_26 = tpu.memref_slice %arg12[%dma_start3A_16] : memref<4x!tpu.dma_semaphore, #tpu.memory_space<semaphore_mem>> -> memref<1x!tpu.dma_semaphore, #tpu.memory_space<semaphore_mem>>
    %dma_start3A_27 = tpu.memref_squeeze %dma_start3A_26 : memref<1x!tpu.dma_semaphore, #tpu.memory_space<semaphore_mem>> -> memref<!tpu.dma_semaphore, #tpu.memory_space<semaphore_mem>>
    tpu.enqueue_indirect_dma source(%dma_start3A_25 : memref<100000x128xf32, #tpu.memory_space<hbm>>) target(%dma_start3A_19 : memref<128x128xf32, #tpu.memory_space<vmem>>) offsets(%dma_start3A_22 : memref<128xi32, #tpu.memory_space<vmem>>) semaphore(%dma_start3A_27 : memref<!tpu.dma_semaphore, #tpu.memory_space<semaphore_mem>>)
    %dma_start3A_28 = arith.constant 0 : i32
    %dma_start3A_29 = arith.constant 1 : i32
    %dma_start3A_30 = arith.constant 0 : i32
    %dma_start3A_31 = arith.constant 0 : i32
    %dma_start3A_32 = tpu.memref_slice %arg11[%dma_start3A_30, %dma_start3A_31] : memref<256x128xf32, #tpu.memory_space<vmem>> -> memref<128x128xf32, #tpu.memory_space<vmem>>
    %dma_start3A_33 = arith.constant 0 : i32
    %dma_start3A_34 = tpu.memref_slice %arg9[%dma_start3A_28, %dma_start3A_33] : memref<2x128xi32, #tpu.memory_space<vmem>> -> memref<1x128xi32, #tpu.memory_space<vmem>>
    %dma_start3A_35 = tpu.memref_squeeze %dma_start3A_34 : memref<1x128xi32, #tpu.memory_space<vmem>> -> memref<128xi32, #tpu.memory_space<vmem>>
    %dma_start3A_36 = arith.constant 0 : i32
    %dma_start3A_37 = arith.constant 0 : i32
    %dma_start3A_38 = tpu.memref_slice %arg3[%dma_start3A_36, %dma_start3A_37] : memref<100001x128xf32, #tpu.memory_space<hbm>> -> memref<100001x128xf32, #tpu.memory_space<hbm>>
    %dma_start3A_39 = tpu.memref_slice %arg12[%dma_start3A_29] : memref<4x!tpu.dma_semaphore, #tpu.memory_space<semaphore_mem>> -> memref<1x!tpu.dma_semaphore, #tpu.memory_space<semaphore_mem>>
    %dma_start3A_40 = tpu.memref_squeeze %dma_start3A_39 : memref<1x!tpu.dma_semaphore, #tpu.memory_space<semaphore_mem>> -> memref<!tpu.dma_semaphore, #tpu.memory_space<semaphore_mem>>
    tpu.enqueue_indirect_dma source(%dma_start3A_38 : memref<100001x128xf32, #tpu.memory_space<hbm>>) target(%dma_start3A_32 : memref<128x128xf32, #tpu.memory_space<vmem>>) offsets(%dma_start3A_35 : memref<128xi32, #tpu.memory_space<vmem>>) semaphore(%dma_start3A_40 : memref<!tpu.dma_semaphore, #tpu.memory_space<semaphore_mem>>)
    %dma_start3A_41 = arith.constant 1 : i32
    %dma_start3A_42 = arith.constant 3 : i32
    %dma_start3A_43 = arith.constant 128 : i32
    %dma_start3A_44 = arith.constant 0 : i32
    %dma_start3A_45 = tpu.memref_slice %arg11[%dma_start3A_43, %dma_start3A_44] : memref<256x128xf32, #tpu.memory_space<vmem>> -> memref<128x128xf32, #tpu.memory_space<vmem>>
    %dma_start3A_46 = arith.constant 0 : i32
    %dma_start3A_47 = tpu.memref_slice %arg9[%dma_start3A_41, %dma_start3A_46] : memref<2x128xi32, #tpu.memory_space<vmem>> -> memref<1x128xi32, #tpu.memory_space<vmem>>
    %dma_start3A_48 = tpu.memref_squeeze %dma_start3A_47 : memref<1x128xi32, #tpu.memory_space<vmem>> -> memref<128xi32, #tpu.memory_space<vmem>>
    %dma_start3A_49 = arith.constant 0 : i32
    %dma_start3A_50 = arith.constant 0 : i32
    %dma_start3A_51 = tpu.memref_slice %arg3[%dma_start3A_49, %dma_start3A_50] : memref<100001x128xf32, #tpu.memory_space<hbm>> -> memref<100001x128xf32, #tpu.memory_space<hbm>>
    %dma_start3A_52 = tpu.memref_slice %arg12[%dma_start3A_42] : memref<4x!tpu.dma_semaphore, #tpu.memory_space<semaphore_mem>> -> memref<1x!tpu.dma_semaphore, #tpu.memory_space<semaphore_mem>>
    %dma_start3A_53 = tpu.memref_squeeze %dma_start3A_52 : memref<1x!tpu.dma_semaphore, #tpu.memory_space<semaphore_mem>> -> memref<!tpu.dma_semaphore, #tpu.memory_space<semaphore_mem>>
    tpu.enqueue_indirect_dma source(%dma_start3A_51 : memref<100001x128xf32, #tpu.memory_space<hbm>>) target(%dma_start3A_45 : memref<128x128xf32, #tpu.memory_space<vmem>>) offsets(%dma_start3A_48 : memref<128xi32, #tpu.memory_space<vmem>>) semaphore(%dma_start3A_53 : memref<!tpu.dma_semaphore, #tpu.memory_space<semaphore_mem>>)
    %mul3A_54 = arith.constant 256 : i32
    %mul3A_55 = arith.muli %add3A, %mul3A_54 : i32
    %dma_wait3A = arith.constant 0 : i32
    %dma_wait3A_56 = arith.constant 0 : i32
    %dma_wait3A_57 = arith.constant 0 : i32
    %dma_wait3A_58 = arith.constant 0 : i32
    %dma_wait3A_59 = tpu.memref_slice %arg10[%dma_wait3A_57, %dma_wait3A_58] : memref<256x128xf32, #tpu.memory_space<vmem>> -> memref<128x128xf32, #tpu.memory_space<vmem>>
    %dma_wait3A_60 = arith.constant 0 : i32
    %dma_wait3A_61 = tpu.memref_slice %arg8[%dma_wait3A, %dma_wait3A_60] : memref<2x128xi32, #tpu.memory_space<vmem>> -> memref<1x128xi32, #tpu.memory_space<vmem>>
    %dma_wait3A_62 = tpu.memref_squeeze %dma_wait3A_61 : memref<1x128xi32, #tpu.memory_space<vmem>> -> memref<128xi32, #tpu.memory_space<vmem>>
    %dma_wait3A_63 = arith.constant 0 : i32
    %dma_wait3A_64 = arith.constant 0 : i32
    %dma_wait3A_65 = tpu.memref_slice %arg2[%dma_wait3A_63, %dma_wait3A_64] : memref<100000x128xf32, #tpu.memory_space<hbm>> -> memref<100000x128xf32, #tpu.memory_space<hbm>>
    %dma_wait3A_66 = tpu.memref_slice %arg12[%dma_wait3A_56] : memref<4x!tpu.dma_semaphore, #tpu.memory_space<semaphore_mem>> -> memref<1x!tpu.dma_semaphore, #tpu.memory_space<semaphore_mem>>
    %dma_wait3A_67 = tpu.memref_squeeze %dma_wait3A_66 : memref<1x!tpu.dma_semaphore, #tpu.memory_space<semaphore_mem>> -> memref<!tpu.dma_semaphore, #tpu.memory_space<semaphore_mem>>
    tpu.wait_indirect_dma semaphore(%dma_wait3A_67 : memref<!tpu.dma_semaphore, #tpu.memory_space<semaphore_mem>>) src(%dma_wait3A_65 : memref<100000x128xf32, #tpu.memory_space<hbm>>) dst(%dma_wait3A_59 : memref<128x128xf32, #tpu.memory_space<vmem>>)
    %dma_wait3A_68 = arith.constant 1 : i32
    %dma_wait3A_69 = arith.constant 2 : i32
    %dma_wait3A_70 = arith.constant 128 : i32
    %dma_wait3A_71 = arith.constant 0 : i32
    %dma_wait3A_72 = tpu.memref_slice %arg10[%dma_wait3A_70, %dma_wait3A_71] : memref<256x128xf32, #tpu.memory_space<vmem>> -> memref<128x128xf32, #tpu.memory_space<vmem>>
    %dma_wait3A_73 = arith.constant 0 : i32
    %dma_wait3A_74 = tpu.memref_slice %arg8[%dma_wait3A_68, %dma_wait3A_73] : memref<2x128xi32, #tpu.memory_space<vmem>> -> memref<1x128xi32, #tpu.memory_space<vmem>>
    %dma_wait3A_75 = tpu.memref_squeeze %dma_wait3A_74 : memref<1x128xi32, #tpu.memory_space<vmem>> -> memref<128xi32, #tpu.memory_space<vmem>>
    %dma_wait3A_76 = arith.constant 0 : i32
    %dma_wait3A_77 = arith.constant 0 : i32
    %dma_wait3A_78 = tpu.memref_slice %arg2[%dma_wait3A_76, %dma_wait3A_77] : memref<100000x128xf32, #tpu.memory_space<hbm>> -> memref<100000x128xf32, #tpu.memory_space<hbm>>
    %dma_wait3A_79 = tpu.memref_slice %arg12[%dma_wait3A_69] : memref<4x!tpu.dma_semaphore, #tpu.memory_space<semaphore_mem>> -> memref<1x!tpu.dma_semaphore, #tpu.memory_space<semaphore_mem>>
    %dma_wait3A_80 = tpu.memref_squeeze %dma_wait3A_79 : memref<1x!tpu.dma_semaphore, #tpu.memory_space<semaphore_mem>> -> memref<!tpu.dma_semaphore, #tpu.memory_space<semaphore_mem>>
    tpu.wait_indirect_dma semaphore(%dma_wait3A_80 : memref<!tpu.dma_semaphore, #tpu.memory_space<semaphore_mem>>) src(%dma_wait3A_78 : memref<100000x128xf32, #tpu.memory_space<hbm>>) dst(%dma_wait3A_72 : memref<128x128xf32, #tpu.memory_space<vmem>>)
    %dma_start3A_81 = arith.constant 0 : i32
    %dma_start3A_82 = arith.constant 0 : i32
    %dma_start3A_83 = tpu.memref_slice %arg6[%mul3A_55, %dma_start3A_82] : memref<8192x128xf32, #tpu.memory_space<hbm>> -> memref<256x128xf32, #tpu.memory_space<hbm>>
    %dma_start3A_84 = tpu.memref_slice %arg13[%dma_start3A_81] : memref<2x!tpu.dma_semaphore, #tpu.memory_space<semaphore_mem>> -> memref<1x!tpu.dma_semaphore, #tpu.memory_space<semaphore_mem>>
    %dma_start3A_85 = tpu.memref_squeeze %dma_start3A_84 : memref<1x!tpu.dma_semaphore, #tpu.memory_space<semaphore_mem>> -> memref<!tpu.dma_semaphore, #tpu.memory_space<semaphore_mem>>
    %dma_start3A_86 = arith.constant 0 : i32
    %dma_start3A_87 = tpu.memref_slice %arg6[%mul3A_55, %dma_start3A_86] : memref<8192x128xf32, #tpu.memory_space<hbm>> -> memref<256x128xf32, #tpu.memory_space<hbm>>
    tpu.enqueue_dma source(%arg10 : memref<256x128xf32, #tpu.memory_space<vmem>>) target(%dma_start3A_87 : memref<256x128xf32, #tpu.memory_space<hbm>>) target_semaphore(%dma_start3A_85 : memref<!tpu.dma_semaphore, #tpu.memory_space<semaphore_mem>>)
    %dma_wait3A_88 = arith.constant 0 : i32
    %dma_wait3A_89 = arith.constant 1 : i32
    %dma_wait3A_90 = arith.constant 0 : i32
    %dma_wait3A_91 = arith.constant 0 : i32
    %dma_wait3A_92 = tpu.memref_slice %arg11[%dma_wait3A_90, %dma_wait3A_91] : memref<256x128xf32, #tpu.memory_space<vmem>> -> memref<128x128xf32, #tpu.memory_space<vmem>>
    %dma_wait3A_93 = arith.constant 0 : i32
    %dma_wait3A_94 = tpu.memref_slice %arg9[%dma_wait3A_88, %dma_wait3A_93] : memref<2x128xi32, #tpu.memory_space<vmem>> -> memref<1x128xi32, #tpu.memory_space<vmem>>
    %dma_wait3A_95 = tpu.memref_squeeze %dma_wait3A_94 : memref<1x128xi32, #tpu.memory_space<vmem>> -> memref<128xi32, #tpu.memory_space<vmem>>
    %dma_wait3A_96 = arith.constant 0 : i32
    %dma_wait3A_97 = arith.constant 0 : i32
    %dma_wait3A_98 = tpu.memref_slice %arg3[%dma_wait3A_96, %dma_wait3A_97] : memref<100001x128xf32, #tpu.memory_space<hbm>> -> memref<100001x128xf32, #tpu.memory_space<hbm>>
    %dma_wait3A_99 = tpu.memref_slice %arg12[%dma_wait3A_89] : memref<4x!tpu.dma_semaphore, #tpu.memory_space<semaphore_mem>> -> memref<1x!tpu.dma_semaphore, #tpu.memory_space<semaphore_mem>>
    %dma_wait3A_100 = tpu.memref_squeeze %dma_wait3A_99 : memref<1x!tpu.dma_semaphore, #tpu.memory_space<semaphore_mem>> -> memref<!tpu.dma_semaphore, #tpu.memory_space<semaphore_mem>>
    tpu.wait_indirect_dma semaphore(%dma_wait3A_100 : memref<!tpu.dma_semaphore, #tpu.memory_space<semaphore_mem>>) src(%dma_wait3A_98 : memref<100001x128xf32, #tpu.memory_space<hbm>>) dst(%dma_wait3A_92 : memref<128x128xf32, #tpu.memory_space<vmem>>)
    %dma_wait3A_101 = arith.constant 1 : i32
    %dma_wait3A_102 = arith.constant 3 : i32
    %dma_wait3A_103 = arith.constant 128 : i32
    %dma_wait3A_104 = arith.constant 0 : i32
    %dma_wait3A_105 = tpu.memref_slice %arg11[%dma_wait3A_103, %dma_wait3A_104] : memref<256x128xf32, #tpu.memory_space<vmem>> -> memref<128x128xf32, #tpu.memory_space<vmem>>
    %dma_wait3A_106 = arith.constant 0 : i32
    %dma_wait3A_107 = tpu.memref_slice %arg9[%dma_wait3A_101, %dma_wait3A_106] : memref<2x128xi32, #tpu.memory_space<vmem>> -> memref<1x128xi32, #tpu.memory_space<vmem>>
    %dma_wait3A_108 = tpu.memref_squeeze %dma_wait3A_107 : memref<1x128xi32, #tpu.memory_space<vmem>> -> memref<128xi32, #tpu.memory_space<vmem>>
    %dma_wait3A_109 = arith.constant 0 : i32
    %dma_wait3A_110 = arith.constant 0 : i32
    %dma_wait3A_111 = tpu.memref_slice %arg3[%dma_wait3A_109, %dma_wait3A_110] : memref<100001x128xf32, #tpu.memory_space<hbm>> -> memref<100001x128xf32, #tpu.memory_space<hbm>>
    %dma_wait3A_112 = tpu.memref_slice %arg12[%dma_wait3A_102] : memref<4x!tpu.dma_semaphore, #tpu.memory_space<semaphore_mem>> -> memref<1x!tpu.dma_semaphore, #tpu.memory_space<semaphore_mem>>
    %dma_wait3A_113 = tpu.memref_squeeze %dma_wait3A_112 : memref<1x!tpu.dma_semaphore, #tpu.memory_space<semaphore_mem>> -> memref<!tpu.dma_semaphore, #tpu.memory_space<semaphore_mem>>
    tpu.wait_indirect_dma semaphore(%dma_wait3A_113 : memref<!tpu.dma_semaphore, #tpu.memory_space<semaphore_mem>>) src(%dma_wait3A_111 : memref<100001x128xf32, #tpu.memory_space<hbm>>) dst(%dma_wait3A_105 : memref<128x128xf32, #tpu.memory_space<vmem>>)
    %dma_start3A_114 = arith.constant 1 : i32
    %dma_start3A_115 = arith.constant 0 : i32
    %dma_start3A_116 = tpu.memref_slice %arg7[%mul3A_55, %dma_start3A_115] : memref<8192x128xf32, #tpu.memory_space<hbm>> -> memref<256x128xf32, #tpu.memory_space<hbm>>
    %dma_start3A_117 = tpu.memref_slice %arg13[%dma_start3A_114] : memref<2x!tpu.dma_semaphore, #tpu.memory_space<semaphore_mem>> -> memref<1x!tpu.dma_semaphore, #tpu.memory_space<semaphore_mem>>
    %dma_start3A_118 = tpu.memref_squeeze %dma_start3A_117 : memref<1x!tpu.dma_semaphore, #tpu.memory_space<semaphore_mem>> -> memref<!tpu.dma_semaphore, #tpu.memory_space<semaphore_mem>>
    %dma_start3A_119 = arith.constant 0 : i32
    %dma_start3A_120 = tpu.memref_slice %arg7[%mul3A_55, %dma_start3A_119] : memref<8192x128xf32, #tpu.memory_space<hbm>> -> memref<256x128xf32, #tpu.memory_space<hbm>>
    tpu.enqueue_dma source(%arg11 : memref<256x128xf32, #tpu.memory_space<vmem>>) target(%dma_start3A_120 : memref<256x128xf32, #tpu.memory_space<hbm>>) target_semaphore(%dma_start3A_118 : memref<!tpu.dma_semaphore, #tpu.memory_space<semaphore_mem>>)
    %dma_wait3A_121 = arith.constant 0 : i32
    %dma_wait3A_122 = arith.constant 0 : i32
    %dma_wait3A_123 = tpu.memref_slice %arg6[%mul3A_55, %dma_wait3A_122] : memref<8192x128xf32, #tpu.memory_space<hbm>> -> memref<256x128xf32, #tpu.memory_space<hbm>>
    %dma_wait3A_124 = tpu.memref_slice %arg13[%dma_wait3A_121] : memref<2x!tpu.dma_semaphore, #tpu.memory_space<semaphore_mem>> -> memref<1x!tpu.dma_semaphore, #tpu.memory_space<semaphore_mem>>
    %dma_wait3A_125 = tpu.memref_squeeze %dma_wait3A_124 : memref<1x!tpu.dma_semaphore, #tpu.memory_space<semaphore_mem>> -> memref<!tpu.dma_semaphore, #tpu.memory_space<semaphore_mem>>
    %dma_wait3A_126 = arith.constant 0 : i32
    %dma_wait3A_127 = tpu.memref_slice %arg6[%mul3A_55, %dma_wait3A_126] : memref<8192x128xf32, #tpu.memory_space<hbm>> -> memref<256x128xf32, #tpu.memory_space<hbm>>
    tpu.wait_dma2 semaphore(%dma_wait3A_125 : memref<!tpu.dma_semaphore, #tpu.memory_space<semaphore_mem>>) src(%arg10 : memref<256x128xf32, #tpu.memory_space<vmem>>) dst(%dma_wait3A_127 : memref<256x128xf32, #tpu.memory_space<hbm>>)
    %dma_wait3A_128 = arith.constant 1 : i32
    %dma_wait3A_129 = arith.constant 0 : i32
    %dma_wait3A_130 = tpu.memref_slice %arg7[%mul3A_55, %dma_wait3A_129] : memref<8192x128xf32, #tpu.memory_space<hbm>> -> memref<256x128xf32, #tpu.memory_space<hbm>>
    %dma_wait3A_131 = tpu.memref_slice %arg13[%dma_wait3A_128] : memref<2x!tpu.dma_semaphore, #tpu.memory_space<semaphore_mem>> -> memref<1x!tpu.dma_semaphore, #tpu.memory_space<semaphore_mem>>
    %dma_wait3A_132 = tpu.memref_squeeze %dma_wait3A_131 : memref<1x!tpu.dma_semaphore, #tpu.memory_space<semaphore_mem>> -> memref<!tpu.dma_semaphore, #tpu.memory_space<semaphore_mem>>
    %dma_wait3A_133 = arith.constant 0 : i32
    %dma_wait3A_134 = tpu.memref_slice %arg7[%mul3A_55, %dma_wait3A_133] : memref<8192x128xf32, #tpu.memory_space<hbm>> -> memref<256x128xf32, #tpu.memory_space<hbm>>
    tpu.wait_dma2 semaphore(%dma_wait3A_132 : memref<!tpu.dma_semaphore, #tpu.memory_space<semaphore_mem>>) src(%arg11 : memref<256x128xf32, #tpu.memory_space<vmem>>) dst(%dma_wait3A_134 : memref<256x128xf32, #tpu.memory_space<hbm>>)
    return
  }
}

#map = affine_map<(d0, d1) -> (0, 0)>
module attributes {stable_mosaic.version = 14 : i64} {
  func.func @_gather_body(%arg0: i32, %arg1: i32, %arg2: memref<100000x128xf32, #tpu.memory_space<hbm>>, %arg3: memref<100001x128xf32, #tpu.memory_space<hbm>>, %arg4: memref<64x128xi32, #tpu.memory_space<hbm>>, %arg5: memref<64x128xi32, #tpu.memory_space<hbm>>, %arg6: memref<8192x128xf32, #tpu.memory_space<hbm>>, %arg7: memref<8192x128xf32, #tpu.memory_space<hbm>>, %arg8: memref<2x128xi32, #tpu.memory_space<vmem>>, %arg9: memref<2x128xi32, #tpu.memory_space<vmem>>, %arg10: memref<256x128xf32, #tpu.memory_space<vmem>>, %arg11: memref<256x128xf32, #tpu.memory_space<vmem>>, %arg12: memref<4x!tpu.dma_semaphore, #tpu.memory_space<semaphore_mem>>, %arg13: memref<2x!tpu.dma_semaphore, #tpu.memory_space<semaphore_mem>>) attributes {dimension_semantics = [#tpu.dimension_semantics<core_parallel>, #tpu.dimension_semantics<subcore_parallel>], iteration_bounds = array<i64: 2, 16>, scalar_prefetch = 0 : i64, scratch_operands = 6 : i64, tpu.core_type = #tpu.core_type<sc_vector_subcore>, window_params = [{transform_indices = #map}, {transform_indices = #map}, {transform_indices = #map}, {transform_indices = #map}, {transform_indices = #map}, {transform_indices = #map}]} {
    %mul3A = arith.constant 2 : i32
    %mul3A_0 = arith.muli %arg1, %mul3A : i32
    %add3A = arith.addi %mul3A_0, %arg0 : i32
    %mul3A_1 = arith.constant 2 : i32
    %mul3A_2 = arith.muli %add3A, %mul3A_1 : i32
    "tpu.region"() ({
      %run_scoped3A = tpu.sem_alloc : memref<!tpu.dma_semaphore, #tpu.memory_space<semaphore_mem>>
      %dma_start3A_135 = arith.constant 0 : i32
      %dma_start3A_136 = tpu.memref_slice %arg4[%mul3A_2, %dma_start3A_135] : memref<64x128xi32, #tpu.memory_space<hbm>> -> memref<2x128xi32, #tpu.memory_space<hbm>>
      %dma_start3A_137 = arith.constant 0 : i32
      %dma_start3A_138 = tpu.memref_slice %arg4[%mul3A_2, %dma_start3A_137] : memref<64x128xi32, #tpu.memory_space<hbm>> -> memref<2x128xi32, #tpu.memory_space<hbm>>
      tpu.enqueue_dma source(%dma_start3A_138 : memref<2x128xi32, #tpu.memory_space<hbm>>) target(%arg8 : memref<2x128xi32, #tpu.memory_space<vmem>>) target_semaphore(%run_scoped3A : memref<!tpu.dma_semaphore, #tpu.memory_space<semaphore_mem>>)
      %dma_wait3A_139 = arith.constant 0 : i32
      %dma_wait3A_140 = tpu.memref_slice %arg4[%mul3A_2, %dma_wait3A_139] : memref<64x128xi32, #tpu.memory_space<hbm>> -> memref<2x128xi32, #tpu.memory_space<hbm>>
      %dma_wait3A_141 = arith.constant 0 : i32
      %dma_wait3A_142 = tpu.memref_slice %arg4[%mul3A_2, %dma_wait3A_141] : memref<64x128xi32, #tpu.memory_space<hbm>> -> memref<2x128xi32, #tpu.memory_space<hbm>>
      tpu.wait_dma2 semaphore(%run_scoped3A : memref<!tpu.dma_semaphore, #tpu.memory_space<semaphore_mem>>) src(%dma_wait3A_142 : memref<2x128xi32, #tpu.memory_space<hbm>>) dst(%arg8 : memref<2x128xi32, #tpu.memory_space<vmem>>)
      tpu.yield
    }) : () -> ()
    "tpu.region"() ({
      %run_scoped3A = tpu.sem_alloc : memref<!tpu.dma_semaphore, #tpu.memory_space<semaphore_mem>>
      %dma_start3A_135 = arith.constant 0 : i32
      %dma_start3A_136 = tpu.memref_slice %arg5[%mul3A_2, %dma_start3A_135] : memref<64x128xi32, #tpu.memory_space<hbm>> -> memref<2x128xi32, #tpu.memory_space<hbm>>
      %dma_start3A_137 = arith.constant 0 : i32
      %dma_start3A_138 = tpu.memref_slice %arg5[%mul3A_2, %dma_start3A_137] : memref<64x128xi32, #tpu.memory_space<hbm>> -> memref<2x128xi32, #tpu.memory_space<hbm>>
      tpu.enqueue_dma source(%dma_start3A_138 : memref<2x128xi32, #tpu.memory_space<hbm>>) target(%arg9 : memref<2x128xi32, #tpu.memory_space<vmem>>) target_semaphore(%run_scoped3A : memref<!tpu.dma_semaphore, #tpu.memory_space<semaphore_mem>>)
      %dma_wait3A_139 = arith.constant 0 : i32
      %dma_wait3A_140 = tpu.memref_slice %arg5[%mul3A_2, %dma_wait3A_139] : memref<64x128xi32, #tpu.memory_space<hbm>> -> memref<2x128xi32, #tpu.memory_space<hbm>>
      %dma_wait3A_141 = arith.constant 0 : i32
      %dma_wait3A_142 = tpu.memref_slice %arg5[%mul3A_2, %dma_wait3A_141] : memref<64x128xi32, #tpu.memory_space<hbm>> -> memref<2x128xi32, #tpu.memory_space<hbm>>
      tpu.wait_dma2 semaphore(%run_scoped3A : memref<!tpu.dma_semaphore, #tpu.memory_space<semaphore_mem>>) src(%dma_wait3A_142 : memref<2x128xi32, #tpu.memory_space<hbm>>) dst(%arg9 : memref<2x128xi32, #tpu.memory_space<vmem>>)
      tpu.yield
    }) : () -> ()
    %dma_start3A = arith.constant 0 : i32
    %dma_start3A_3 = arith.constant 0 : i32
    %dma_start3A_4 = arith.constant 0 : i32
    %dma_start3A_5 = arith.constant 0 : i32
    %dma_start3A_6 = tpu.memref_slice %arg10[%dma_start3A_4, %dma_start3A_5] : memref<256x128xf32, #tpu.memory_space<vmem>> -> memref<128x128xf32, #tpu.memory_space<vmem>>
    %dma_start3A_7 = arith.constant 0 : i32
    %dma_start3A_8 = tpu.memref_slice %arg8[%dma_start3A, %dma_start3A_7] : memref<2x128xi32, #tpu.memory_space<vmem>> -> memref<1x128xi32, #tpu.memory_space<vmem>>
    %dma_start3A_9 = tpu.memref_squeeze %dma_start3A_8 : memref<1x128xi32, #tpu.memory_space<vmem>> -> memref<128xi32, #tpu.memory_space<vmem>>
    %dma_start3A_10 = arith.constant 0 : i32
    %dma_start3A_11 = arith.constant 0 : i32
    %dma_start3A_12 = tpu.memref_slice %arg2[%dma_start3A_10, %dma_start3A_11] : memref<100000x128xf32, #tpu.memory_space<hbm>> -> memref<100000x128xf32, #tpu.memory_space<hbm>>
    %dma_start3A_13 = tpu.memref_slice %arg12[%dma_start3A_3] : memref<4x!tpu.dma_semaphore, #tpu.memory_space<semaphore_mem>> -> memref<1x!tpu.dma_semaphore, #tpu.memory_space<semaphore_mem>>
    %dma_start3A_14 = tpu.memref_squeeze %dma_start3A_13 : memref<1x!tpu.dma_semaphore, #tpu.memory_space<semaphore_mem>> -> memref<!tpu.dma_semaphore, #tpu.memory_space<semaphore_mem>>
    tpu.enqueue_indirect_dma source(%dma_start3A_12 : memref<100000x128xf32, #tpu.memory_space<hbm>>) target(%dma_start3A_6 : memref<128x128xf32, #tpu.memory_space<vmem>>) offsets(%dma_start3A_9 : memref<128xi32, #tpu.memory_space<vmem>>) semaphore(%dma_start3A_14 : memref<!tpu.dma_semaphore, #tpu.memory_space<semaphore_mem>>)
    %dma_start3A_15 = arith.constant 1 : i32
    %dma_start3A_16 = arith.constant 2 : i32
    %dma_start3A_17 = arith.constant 128 : i32
    %dma_start3A_18 = arith.constant 0 : i32
    %dma_start3A_19 = tpu.memref_slice %arg10[%dma_start3A_17, %dma_start3A_18] : memref<256x128xf32, #tpu.memory_space<vmem>> -> memref<128x128xf32, #tpu.memory_space<vmem>>
    %dma_start3A_20 = arith.constant 0 : i32
    %dma_start3A_21 = tpu.memref_slice %arg8[%dma_start3A_15, %dma_start3A_20] : memref<2x128xi32, #tpu.memory_space<vmem>> -> memref<1x128xi32, #tpu.memory_space<vmem>>
    %dma_start3A_22 = tpu.memref_squeeze %dma_start3A_21 : memref<1x128xi32, #tpu.memory_space<vmem>> -> memref<128xi32, #tpu.memory_space<vmem>>
    %dma_start3A_23 = arith.constant 0 : i32
    %dma_start3A_24 = arith.constant 0 : i32
    %dma_start3A_25 = tpu.memref_slice %arg2[%dma_start3A_23, %dma_start3A_24] : memref<100000x128xf32, #tpu.memory_space<hbm>> -> memref<100000x128xf32, #tpu.memory_space<hbm>>
    %dma_start3A_26 = tpu.memref_slice %arg12[%dma_start3A_16] : memref<4x!tpu.dma_semaphore, #tpu.memory_space<semaphore_mem>> -> memref<1x!tpu.dma_semaphore, #tpu.memory_space<semaphore_mem>>
    %dma_start3A_27 = tpu.memref_squeeze %dma_start3A_26 : memref<1x!tpu.dma_semaphore, #tpu.memory_space<semaphore_mem>> -> memref<!tpu.dma_semaphore, #tpu.memory_space<semaphore_mem>>
    tpu.enqueue_indirect_dma source(%dma_start3A_25 : memref<100000x128xf32, #tpu.memory_space<hbm>>) target(%dma_start3A_19 : memref<128x128xf32, #tpu.memory_space<vmem>>) offsets(%dma_start3A_22 : memref<128xi32, #tpu.memory_space<vmem>>) semaphore(%dma_start3A_27 : memref<!tpu.dma_semaphore, #tpu.memory_space<semaphore_mem>>)
    %dma_start3A_28 = arith.constant 0 : i32
    %dma_start3A_29 = arith.constant 1 : i32
    %dma_start3A_30 = arith.constant 0 : i32
    %dma_start3A_31 = arith.constant 0 : i32
    %dma_start3A_32 = tpu.memref_slice %arg11[%dma_start3A_30, %dma_start3A_31] : memref<256x128xf32, #tpu.memory_space<vmem>> -> memref<128x128xf32, #tpu.memory_space<vmem>>
    %dma_start3A_33 = arith.constant 0 : i32
    %dma_start3A_34 = tpu.memref_slice %arg9[%dma_start3A_28, %dma_start3A_33] : memref<2x128xi32, #tpu.memory_space<vmem>> -> memref<1x128xi32, #tpu.memory_space<vmem>>
    %dma_start3A_35 = tpu.memref_squeeze %dma_start3A_34 : memref<1x128xi32, #tpu.memory_space<vmem>> -> memref<128xi32, #tpu.memory_space<vmem>>
    %dma_start3A_36 = arith.constant 0 : i32
    %dma_start3A_37 = arith.constant 0 : i32
    %dma_start3A_38 = tpu.memref_slice %arg3[%dma_start3A_36, %dma_start3A_37] : memref<100001x128xf32, #tpu.memory_space<hbm>> -> memref<100001x128xf32, #tpu.memory_space<hbm>>
    %dma_start3A_39 = tpu.memref_slice %arg12[%dma_start3A_29] : memref<4x!tpu.dma_semaphore, #tpu.memory_space<semaphore_mem>> -> memref<1x!tpu.dma_semaphore, #tpu.memory_space<semaphore_mem>>
    %dma_start3A_40 = tpu.memref_squeeze %dma_start3A_39 : memref<1x!tpu.dma_semaphore, #tpu.memory_space<semaphore_mem>> -> memref<!tpu.dma_semaphore, #tpu.memory_space<semaphore_mem>>
    tpu.enqueue_indirect_dma source(%dma_start3A_38 : memref<100001x128xf32, #tpu.memory_space<hbm>>) target(%dma_start3A_32 : memref<128x128xf32, #tpu.memory_space<vmem>>) offsets(%dma_start3A_35 : memref<128xi32, #tpu.memory_space<vmem>>) semaphore(%dma_start3A_40 : memref<!tpu.dma_semaphore, #tpu.memory_space<semaphore_mem>>)
    %dma_start3A_41 = arith.constant 1 : i32
    %dma_start3A_42 = arith.constant 3 : i32
    %dma_start3A_43 = arith.constant 128 : i32
    %dma_start3A_44 = arith.constant 0 : i32
    %dma_start3A_45 = tpu.memref_slice %arg11[%dma_start3A_43, %dma_start3A_44] : memref<256x128xf32, #tpu.memory_space<vmem>> -> memref<128x128xf32, #tpu.memory_space<vmem>>
    %dma_start3A_46 = arith.constant 0 : i32
    %dma_start3A_47 = tpu.memref_slice %arg9[%dma_start3A_41, %dma_start3A_46] : memref<2x128xi32, #tpu.memory_space<vmem>> -> memref<1x128xi32, #tpu.memory_space<vmem>>
    %dma_start3A_48 = tpu.memref_squeeze %dma_start3A_47 : memref<1x128xi32, #tpu.memory_space<vmem>> -> memref<128xi32, #tpu.memory_space<vmem>>
    %dma_start3A_49 = arith.constant 0 : i32
    %dma_start3A_50 = arith.constant 0 : i32
    %dma_start3A_51 = tpu.memref_slice %arg3[%dma_start3A_49, %dma_start3A_50] : memref<100001x128xf32, #tpu.memory_space<hbm>> -> memref<100001x128xf32, #tpu.memory_space<hbm>>
    %dma_start3A_52 = tpu.memref_slice %arg12[%dma_start3A_42] : memref<4x!tpu.dma_semaphore, #tpu.memory_space<semaphore_mem>> -> memref<1x!tpu.dma_semaphore, #tpu.memory_space<semaphore_mem>>
    %dma_start3A_53 = tpu.memref_squeeze %dma_start3A_52 : memref<1x!tpu.dma_semaphore, #tpu.memory_space<semaphore_mem>> -> memref<!tpu.dma_semaphore, #tpu.memory_space<semaphore_mem>>
    tpu.enqueue_indirect_dma source(%dma_start3A_51 : memref<100001x128xf32, #tpu.memory_space<hbm>>) target(%dma_start3A_45 : memref<128x128xf32, #tpu.memory_space<vmem>>) offsets(%dma_start3A_48 : memref<128xi32, #tpu.memory_space<vmem>>) semaphore(%dma_start3A_53 : memref<!tpu.dma_semaphore, #tpu.memory_space<semaphore_mem>>)
    %mul3A_54 = arith.constant 256 : i32
    %mul3A_55 = arith.muli %add3A, %mul3A_54 : i32
    %dma_wait3A = arith.constant 0 : i32
    %dma_wait3A_56 = arith.constant 0 : i32
    %dma_wait3A_57 = arith.constant 0 : i32
    %dma_wait3A_58 = arith.constant 0 : i32
    %dma_wait3A_59 = tpu.memref_slice %arg10[%dma_wait3A_57, %dma_wait3A_58] : memref<256x128xf32, #tpu.memory_space<vmem>> -> memref<128x128xf32, #tpu.memory_space<vmem>>
    %dma_wait3A_60 = arith.constant 0 : i32
    %dma_wait3A_61 = tpu.memref_slice %arg8[%dma_wait3A, %dma_wait3A_60] : memref<2x128xi32, #tpu.memory_space<vmem>> -> memref<1x128xi32, #tpu.memory_space<vmem>>
    %dma_wait3A_62 = tpu.memref_squeeze %dma_wait3A_61 : memref<1x128xi32, #tpu.memory_space<vmem>> -> memref<128xi32, #tpu.memory_space<vmem>>
    %dma_wait3A_63 = arith.constant 0 : i32
    %dma_wait3A_64 = arith.constant 0 : i32
    %dma_wait3A_65 = tpu.memref_slice %arg2[%dma_wait3A_63, %dma_wait3A_64] : memref<100000x128xf32, #tpu.memory_space<hbm>> -> memref<100000x128xf32, #tpu.memory_space<hbm>>
    %dma_wait3A_66 = tpu.memref_slice %arg12[%dma_wait3A_56] : memref<4x!tpu.dma_semaphore, #tpu.memory_space<semaphore_mem>> -> memref<1x!tpu.dma_semaphore, #tpu.memory_space<semaphore_mem>>
    %dma_wait3A_67 = tpu.memref_squeeze %dma_wait3A_66 : memref<1x!tpu.dma_semaphore, #tpu.memory_space<semaphore_mem>> -> memref<!tpu.dma_semaphore, #tpu.memory_space<semaphore_mem>>
    tpu.wait_indirect_dma semaphore(%dma_wait3A_67 : memref<!tpu.dma_semaphore, #tpu.memory_space<semaphore_mem>>) src(%dma_wait3A_65 : memref<100000x128xf32, #tpu.memory_space<hbm>>) dst(%dma_wait3A_59 : memref<128x128xf32, #tpu.memory_space<vmem>>)
    %dma_wait3A_68 = arith.constant 1 : i32
    %dma_wait3A_69 = arith.constant 2 : i32
    %dma_wait3A_70 = arith.constant 128 : i32
    %dma_wait3A_71 = arith.constant 0 : i32
    %dma_wait3A_72 = tpu.memref_slice %arg10[%dma_wait3A_70, %dma_wait3A_71] : memref<256x128xf32, #tpu.memory_space<vmem>> -> memref<128x128xf32, #tpu.memory_space<vmem>>
    %dma_wait3A_73 = arith.constant 0 : i32
    %dma_wait3A_74 = tpu.memref_slice %arg8[%dma_wait3A_68, %dma_wait3A_73] : memref<2x128xi32, #tpu.memory_space<vmem>> -> memref<1x128xi32, #tpu.memory_space<vmem>>
    %dma_wait3A_75 = tpu.memref_squeeze %dma_wait3A_74 : memref<1x128xi32, #tpu.memory_space<vmem>> -> memref<128xi32, #tpu.memory_space<vmem>>
    %dma_wait3A_76 = arith.constant 0 : i32
    %dma_wait3A_77 = arith.constant 0 : i32
    %dma_wait3A_78 = tpu.memref_slice %arg2[%dma_wait3A_76, %dma_wait3A_77] : memref<100000x128xf32, #tpu.memory_space<hbm>> -> memref<100000x128xf32, #tpu.memory_space<hbm>>
    %dma_wait3A_79 = tpu.memref_slice %arg12[%dma_wait3A_69] : memref<4x!tpu.dma_semaphore, #tpu.memory_space<semaphore_mem>> -> memref<1x!tpu.dma_semaphore, #tpu.memory_space<semaphore_mem>>
    %dma_wait3A_80 = tpu.memref_squeeze %dma_wait3A_79 : memref<1x!tpu.dma_semaphore, #tpu.memory_space<semaphore_mem>> -> memref<!tpu.dma_semaphore, #tpu.memory_space<semaphore_mem>>
    tpu.wait_indirect_dma semaphore(%dma_wait3A_80 : memref<!tpu.dma_semaphore, #tpu.memory_space<semaphore_mem>>) src(%dma_wait3A_78 : memref<100000x128xf32, #tpu.memory_space<hbm>>) dst(%dma_wait3A_72 : memref<128x128xf32, #tpu.memory_space<vmem>>)
    %dma_start3A_81 = arith.constant 0 : i32
    %dma_start3A_82 = arith.constant 0 : i32
    %dma_start3A_83 = tpu.memref_slice %arg6[%mul3A_55, %dma_start3A_82] : memref<8192x128xf32, #tpu.memory_space<hbm>> -> memref<256x128xf32, #tpu.memory_space<hbm>>
    %dma_start3A_84 = tpu.memref_slice %arg13[%dma_start3A_81] : memref<2x!tpu.dma_semaphore, #tpu.memory_space<semaphore_mem>> -> memref<1x!tpu.dma_semaphore, #tpu.memory_space<semaphore_mem>>
    %dma_start3A_85 = tpu.memref_squeeze %dma_start3A_84 : memref<1x!tpu.dma_semaphore, #tpu.memory_space<semaphore_mem>> -> memref<!tpu.dma_semaphore, #tpu.memory_space<semaphore_mem>>
    %dma_start3A_86 = arith.constant 0 : i32
    %dma_start3A_87 = tpu.memref_slice %arg6[%mul3A_55, %dma_start3A_86] : memref<8192x128xf32, #tpu.memory_space<hbm>> -> memref<256x128xf32, #tpu.memory_space<hbm>>
    tpu.enqueue_dma source(%arg10 : memref<256x128xf32, #tpu.memory_space<vmem>>) target(%dma_start3A_87 : memref<256x128xf32, #tpu.memory_space<hbm>>) target_semaphore(%dma_start3A_85 : memref<!tpu.dma_semaphore, #tpu.memory_space<semaphore_mem>>)
    %dma_wait3A_88 = arith.constant 0 : i32
    %dma_wait3A_89 = arith.constant 1 : i32
    %dma_wait3A_90 = arith.constant 0 : i32
    %dma_wait3A_91 = arith.constant 0 : i32
    %dma_wait3A_92 = tpu.memref_slice %arg11[%dma_wait3A_90, %dma_wait3A_91] : memref<256x128xf32, #tpu.memory_space<vmem>> -> memref<128x128xf32, #tpu.memory_space<vmem>>
    %dma_wait3A_93 = arith.constant 0 : i32
    %dma_wait3A_94 = tpu.memref_slice %arg9[%dma_wait3A_88, %dma_wait3A_93] : memref<2x128xi32, #tpu.memory_space<vmem>> -> memref<1x128xi32, #tpu.memory_space<vmem>>
    %dma_wait3A_95 = tpu.memref_squeeze %dma_wait3A_94 : memref<1x128xi32, #tpu.memory_space<vmem>> -> memref<128xi32, #tpu.memory_space<vmem>>
    %dma_wait3A_96 = arith.constant 0 : i32
    %dma_wait3A_97 = arith.constant 0 : i32
    %dma_wait3A_98 = tpu.memref_slice %arg3[%dma_wait3A_96, %dma_wait3A_97] : memref<100001x128xf32, #tpu.memory_space<hbm>> -> memref<100001x128xf32, #tpu.memory_space<hbm>>
    %dma_wait3A_99 = tpu.memref_slice %arg12[%dma_wait3A_89] : memref<4x!tpu.dma_semaphore, #tpu.memory_space<semaphore_mem>> -> memref<1x!tpu.dma_semaphore, #tpu.memory_space<semaphore_mem>>
    %dma_wait3A_100 = tpu.memref_squeeze %dma_wait3A_99 : memref<1x!tpu.dma_semaphore, #tpu.memory_space<semaphore_mem>> -> memref<!tpu.dma_semaphore, #tpu.memory_space<semaphore_mem>>
    tpu.wait_indirect_dma semaphore(%dma_wait3A_100 : memref<!tpu.dma_semaphore, #tpu.memory_space<semaphore_mem>>) src(%dma_wait3A_98 : memref<100001x128xf32, #tpu.memory_space<hbm>>) dst(%dma_wait3A_92 : memref<128x128xf32, #tpu.memory_space<vmem>>)
    %dma_wait3A_101 = arith.constant 1 : i32
    %dma_wait3A_102 = arith.constant 3 : i32
    %dma_wait3A_103 = arith.constant 128 : i32
    %dma_wait3A_104 = arith.constant 0 : i32
    %dma_wait3A_105 = tpu.memref_slice %arg11[%dma_wait3A_103, %dma_wait3A_104] : memref<256x128xf32, #tpu.memory_space<vmem>> -> memref<128x128xf32, #tpu.memory_space<vmem>>
    %dma_wait3A_106 = arith.constant 0 : i32
    %dma_wait3A_107 = tpu.memref_slice %arg9[%dma_wait3A_101, %dma_wait3A_106] : memref<2x128xi32, #tpu.memory_space<vmem>> -> memref<1x128xi32, #tpu.memory_space<vmem>>
    %dma_wait3A_108 = tpu.memref_squeeze %dma_wait3A_107 : memref<1x128xi32, #tpu.memory_space<vmem>> -> memref<128xi32, #tpu.memory_space<vmem>>
    %dma_wait3A_109 = arith.constant 0 : i32
    %dma_wait3A_110 = arith.constant 0 : i32
    %dma_wait3A_111 = tpu.memref_slice %arg3[%dma_wait3A_109, %dma_wait3A_110] : memref<100001x128xf32, #tpu.memory_space<hbm>> -> memref<100001x128xf32, #tpu.memory_space<hbm>>
    %dma_wait3A_112 = tpu.memref_slice %arg12[%dma_wait3A_102] : memref<4x!tpu.dma_semaphore, #tpu.memory_space<semaphore_mem>> -> memref<1x!tpu.dma_semaphore, #tpu.memory_space<semaphore_mem>>
    %dma_wait3A_113 = tpu.memref_squeeze %dma_wait3A_112 : memref<1x!tpu.dma_semaphore, #tpu.memory_space<semaphore_mem>> -> memref<!tpu.dma_semaphore, #tpu.memory_space<semaphore_mem>>
    tpu.wait_indirect_dma semaphore(%dma_wait3A_113 : memref<!tpu.dma_semaphore, #tpu.memory_space<semaphore_mem>>) src(%dma_wait3A_111 : memref<100001x128xf32, #tpu.memory_space<hbm>>) dst(%dma_wait3A_105 : memref<128x128xf32, #tpu.memory_space<vmem>>)
    %dma_start3A_114 = arith.constant 1 : i32
    %dma_start3A_115 = arith.constant 0 : i32
    %dma_start3A_116 = tpu.memref_slice %arg7[%mul3A_55, %dma_start3A_115] : memref<8192x128xf32, #tpu.memory_space<hbm>> -> memref<256x128xf32, #tpu.memory_space<hbm>>
    %dma_start3A_117 = tpu.memref_slice %arg13[%dma_start3A_114] : memref<2x!tpu.dma_semaphore, #tpu.memory_space<semaphore_mem>> -> memref<1x!tpu.dma_semaphore, #tpu.memory_space<semaphore_mem>>
    %dma_start3A_118 = tpu.memref_squeeze %dma_start3A_117 : memref<1x!tpu.dma_semaphore, #tpu.memory_space<semaphore_mem>> -> memref<!tpu.dma_semaphore, #tpu.memory_space<semaphore_mem>>
    %dma_start3A_119 = arith.constant 0 : i32
    %dma_start3A_120 = tpu.memref_slice %arg7[%mul3A_55, %dma_start3A_119] : memref<8192x128xf32, #tpu.memory_space<hbm>> -> memref<256x128xf32, #tpu.memory_space<hbm>>
    tpu.enqueue_dma source(%arg11 : memref<256x128xf32, #tpu.memory_space<vmem>>) target(%dma_start3A_120 : memref<256x128xf32, #tpu.memory_space<hbm>>) target_semaphore(%dma_start3A_118 : memref<!tpu.dma_semaphore, #tpu.memory_space<semaphore_mem>>)
    %dma_wait3A_121 = arith.constant 0 : i32
    %dma_wait3A_122 = arith.constant 0 : i32
    %dma_wait3A_123 = tpu.memref_slice %arg6[%mul3A_55, %dma_wait3A_122] : memref<8192x128xf32, #tpu.memory_space<hbm>> -> memref<256x128xf32, #tpu.memory_space<hbm>>
    %dma_wait3A_124 = tpu.memref_slice %arg13[%dma_wait3A_121] : memref<2x!tpu.dma_semaphore, #tpu.memory_space<semaphore_mem>> -> memref<1x!tpu.dma_semaphore, #tpu.memory_space<semaphore_mem>>
    %dma_wait3A_125 = tpu.memref_squeeze %dma_wait3A_124 : memref<1x!tpu.dma_semaphore, #tpu.memory_space<semaphore_mem>> -> memref<!tpu.dma_semaphore, #tpu.memory_space<semaphore_mem>>
    %dma_wait3A_126 = arith.constant 0 : i32
    %dma_wait3A_127 = tpu.memref_slice %arg6[%mul3A_55, %dma_wait3A_126] : memref<8192x128xf32, #tpu.memory_space<hbm>> -> memref<256x128xf32, #tpu.memory_space<hbm>>
    tpu.wait_dma2 semaphore(%dma_wait3A_125 : memref<!tpu.dma_semaphore, #tpu.memory_space<semaphore_mem>>) src(%arg10 : memref<256x128xf32, #tpu.memory_space<vmem>>) dst(%dma_wait3A_127 : memref<256x128xf32, #tpu.memory_space<hbm>>)
    %dma_wait3A_128 = arith.constant 1 : i32
    %dma_wait3A_129 = arith.constant 0 : i32
    %dma_wait3A_130 = tpu.memref_slice %arg7[%mul3A_55, %dma_wait3A_129] : memref<8192x128xf32, #tpu.memory_space<hbm>> -> memref<256x128xf32, #tpu.memory_space<hbm>>
    %dma_wait3A_131 = tpu.memref_slice %arg13[%dma_wait3A_128] : memref<2x!tpu.dma_semaphore, #tpu.memory_space<semaphore_mem>> -> memref<1x!tpu.dma_semaphore, #tpu.memory_space<semaphore_mem>>
    %dma_wait3A_132 = tpu.memref_squeeze %dma_wait3A_131 : memref<1x!tpu.dma_semaphore, #tpu.memory_space<semaphore_mem>> -> memref<!tpu.dma_semaphore, #tpu.memory_space<semaphore_mem>>
    %dma_wait3A_133 = arith.constant 0 : i32
    %dma_wait3A_134 = tpu.memref_slice %arg7[%mul3A_55, %dma_wait3A_133] : memref<8192x128xf32, #tpu.memory_space<hbm>> -> memref<256x128xf32, #tpu.memory_space<hbm>>
    tpu.wait_dma2 semaphore(%dma_wait3A_132 : memref<!tpu.dma_semaphore, #tpu.memory_space<semaphore_mem>>) src(%arg11 : memref<256x128xf32, #tpu.memory_space<vmem>>) dst(%dma_wait3A_134 : memref<256x128xf32, #tpu.memory_space<hbm>>)
    return
  }
}

module attributes {stable_mosaic.version = 14 : i64} {
  func.func @_mlp_body(%arg0: i32, %arg1: memref<2048x128xf32, #tpu.memory_space<vmem>>, %arg2: memref<2048x128xf32, #tpu.memory_space<vmem>>, %arg3: memref<128x128xf32, #tpu.memory_space<vmem>>, %arg4: memref<128x128xf32, #tpu.memory_space<vmem>>, %arg5: memref<128xf32, #tpu.memory_space<vmem>>, %arg6: memref<128x128xf32, #tpu.memory_space<vmem>>, %arg7: memref<128xf32, #tpu.memory_space<vmem>>, %arg8: memref<2x128xf32, #tpu.memory_space<vmem>>, %arg9: memref<2xf32, #tpu.memory_space<vmem>>, %arg10: memref<2x2048xf32, #tpu.memory_space<vmem>>) attributes {dimension_semantics = [#tpu.dimension_semantics<arbitrary>], iteration_bounds = array<i64: 4>, scalar_prefetch = 0 : i64, scratch_operands = 0 : i64, tpu.core_type = #tpu.core_type<tc>, window_params = [{transform_indices = @transform_0, window_bounds = array<i64: 2048, 128>}, {transform_indices = @transform_1, window_bounds = array<i64: 2048, 128>}, {transform_indices = @transform_2, window_bounds = array<i64: 128, 128>}, {transform_indices = @transform_3, window_bounds = array<i64: 128, 128>}, {pipeline_mode = #tpu.pipeline_mode<synchronous>, transform_indices = @transform_4, window_bounds = array<i64: 128>}, {pipeline_mode = #tpu.pipeline_mode<synchronous>, transform_indices = @transform_5, window_bounds = array<i64: 128, 128>}, {pipeline_mode = #tpu.pipeline_mode<synchronous>, transform_indices = @transform_6, window_bounds = array<i64: 128>}, {pipeline_mode = #tpu.pipeline_mode<synchronous>, transform_indices = @transform_7, window_bounds = array<i64: 2, 128>}, {pipeline_mode = #tpu.pipeline_mode<synchronous>, transform_indices = @transform_8, window_bounds = array<i64: 2>}, {transform_indices = @transform_9, window_bounds = array<i64: 2, 2048>}]} {
    %get3A = arith.constant 0 : index
    %get3A_0 = arith.constant 0 : index
    %get3A_1 = vector.load %arg1[%get3A, %get3A_0] : memref<2048x128xf32, #tpu.memory_space<vmem>>, vector<2048x128xf32>
    %get3A_2 = arith.constant 0 : index
    %get3A_3 = arith.constant 0 : index
    %get3A_4 = vector.load %arg3[%get3A_2, %get3A_3] : memref<128x128xf32, #tpu.memory_space<vmem>>, vector<128x128xf32>
    %dot_general3A = arith.constant dense<0.000000e+00> : vector<2048x128xf32>
    %dot_general3A_5 = tpu.matmul %get3A_1, %get3A_4, %dot_general3A {dimension_numbers = #tpu.dot_dimension_numbers<[1], [1], [0], [0], [0, 0, 1, 0], [], []>, transpose_lhs_hint = false} : vector<2048x128xf32>, vector<128x128xf32>, vector<2048x128xf32> -> vector<2048x128xf32>
    %get3A_6 = arith.constant 0 : index
    %get3A_7 = arith.constant 0 : index
    %get3A_8 = vector.load %arg2[%get3A_6, %get3A_7] : memref<2048x128xf32, #tpu.memory_space<vmem>>, vector<2048x128xf32>
    %get3A_9 = arith.constant 0 : index
    %get3A_10 = arith.constant 0 : index
    %get3A_11 = vector.load %arg4[%get3A_9, %get3A_10] : memref<128x128xf32, #tpu.memory_space<vmem>>, vector<128x128xf32>
    %dot_general3A_12 = arith.constant dense<0.000000e+00> : vector<2048x128xf32>
    %dot_general3A_13 = tpu.matmul %get3A_8, %get3A_11, %dot_general3A_12 {dimension_numbers = #tpu.dot_dimension_numbers<[1], [1], [0], [0], [0, 0, 1, 0], [], []>, transpose_lhs_hint = false} : vector<2048x128xf32>, vector<128x128xf32>, vector<2048x128xf32> -> vector<2048x128xf32>
    %add3A = arith.addf %dot_general3A_5, %dot_general3A_13 : vector<2048x128xf32>
    %get3A_14 = arith.constant 0 : index
    %get3A_15 = vector.load %arg5[%get3A_14] : memref<128xf32, #tpu.memory_space<vmem>>, vector<128xf32>
    %broadcast_in_dim3A = vector.shape_cast %get3A_15 : vector<128xf32> to vector<1x128xf32>
    %add3A_16 = vector.broadcast %broadcast_in_dim3A : vector<1x128xf32> to vector<2048x128xf32>
    %add3A_17 = arith.addf %add3A, %add3A_16 : vector<2048x128xf32>
    %max3A = arith.constant 0.000000e+00 : f32
    %max3A_18 = vector.broadcast %max3A : f32 to vector<2048x128xf32>
    %max3A_19 = arith.maximumf %add3A_17, %max3A_18 : vector<2048x128xf32>
    %get3A_20 = arith.constant 0 : index
    %get3A_21 = arith.constant 0 : index
    %get3A_22 = vector.load %arg6[%get3A_20, %get3A_21] : memref<128x128xf32, #tpu.memory_space<vmem>>, vector<128x128xf32>
    %dot_general3A_23 = arith.constant dense<0.000000e+00> : vector<2048x128xf32>
    %dot_general3A_24 = tpu.matmul %max3A_19, %get3A_22, %dot_general3A_23 {dimension_numbers = #tpu.dot_dimension_numbers<[1], [1], [0], [0], [0, 0, 1, 0], [], []>, transpose_lhs_hint = false} : vector<2048x128xf32>, vector<128x128xf32>, vector<2048x128xf32> -> vector<2048x128xf32>
    %get3A_25 = arith.constant 0 : index
    %get3A_26 = vector.load %arg7[%get3A_25] : memref<128xf32, #tpu.memory_space<vmem>>, vector<128xf32>
    %broadcast_in_dim3A_27 = vector.shape_cast %get3A_26 : vector<128xf32> to vector<1x128xf32>
    %add3A_28 = vector.broadcast %broadcast_in_dim3A_27 : vector<1x128xf32> to vector<2048x128xf32>
    %add3A_29 = arith.addf %dot_general3A_24, %add3A_28 : vector<2048x128xf32>
    %max3A_30 = arith.constant 0.000000e+00 : f32
    %max3A_31 = vector.broadcast %max3A_30 : f32 to vector<2048x128xf32>
    %max3A_32 = arith.maximumf %add3A_29, %max3A_31 : vector<2048x128xf32>
    %get3A_33 = arith.constant 0 : index
    %get3A_34 = arith.constant 0 : index
    %get3A_35 = vector.load %arg8[%get3A_33, %get3A_34] : memref<2x128xf32, #tpu.memory_space<vmem>>, vector<2x128xf32>
    %dot_general3A_36 = arith.constant dense<0.000000e+00> : vector<2x2048xf32>
    %dot_general3A_37 = tpu.matmul %get3A_35, %max3A_32, %dot_general3A_36 {dimension_numbers = #tpu.dot_dimension_numbers<[1], [1], [0], [0], [0, 0, 1, 0], [], []>, transpose_lhs_hint = false} : vector<2x128xf32>, vector<2048x128xf32>, vector<2x2048xf32> -> vector<2x2048xf32>
    %get3A_38 = arith.constant 0 : index
    %get3A_39 = vector.load %arg9[%get3A_38] : memref<2xf32, #tpu.memory_space<vmem>>, vector<2xf32>
    %broadcast_in_dim3A_40 = vector.shape_cast %get3A_39 : vector<2xf32> to vector<2x1xf32>
    %add3A_41 = vector.broadcast %broadcast_in_dim3A_40 : vector<2x1xf32> to vector<2x2048xf32>
    %add3A_42 = arith.addf %dot_general3A_37, %add3A_41 : vector<2x2048xf32>
    %logistic3A = arith.negf %add3A_42 : vector<2x2048xf32>
    %logistic3A_43 = math.exp %logistic3A : vector<2x2048xf32>
    %logistic3A_44 = arith.constant 1.000000e+00 : f32
    %logistic3A_45 = vector.broadcast %logistic3A_44 : f32 to vector<2x2048xf32>
    %logistic3A_46 = arith.addf %logistic3A_45, %logistic3A_43 : vector<2x2048xf32>
    %logistic3A_47 = arith.divf %logistic3A_45, %logistic3A_46 : vector<2x2048xf32>
    %swap3A = arith.constant 0 : index
    %swap3A_48 = arith.constant 0 : index
    %swap3A_49 = vector.load %arg10[%swap3A, %swap3A_48] : memref<2x2048xf32, #tpu.memory_space<vmem>>, vector<2x2048xf32>
    tpu.vector_store %arg10[%swap3A, %swap3A_48], %logistic3A_47 {strides = array<i32>} : memref<2x2048xf32, #tpu.memory_space<vmem>>, vector<2x2048xf32>,
    return
  }
  func.func @transform_0(%arg0: i32) -> (i32, i32) {
    %c0_i32 = arith.constant 0 : i32
    %c0_i32_0 = arith.constant 0 : i32
    return %arg0, %c0_i32 : i32, i32
  }
  func.func @transform_1(%arg0: i32) -> (i32, i32) {
    %c0_i32 = arith.constant 0 : i32
    %c0_i32_0 = arith.constant 0 : i32
    return %arg0, %c0_i32 : i32, i32
  }
  func.func @transform_2(%arg0: i32) -> (i32, i32) {
    %c0_i32 = arith.constant 0 : i32
    %c0_i32_0 = arith.constant 0 : i32
    %c0_i32_1 = arith.constant 0 : i32
    return %c0_i32, %c0_i32_0 : i32, i32
  }
  func.func @transform_3(%arg0: i32) -> (i32, i32) {
    %c0_i32 = arith.constant 0 : i32
    %c1_i32 = arith.constant 1 : i32
    %c0_i32_0 = arith.constant 0 : i32
    return %c0_i32, %c1_i32 : i32, i32
  }
  func.func @transform_4(%arg0: i32) -> i32 {
    %c0_i32 = arith.constant 0 : i32
    %c0_i32_0 = arith.constant 0 : i32
    return %c0_i32 : i32
  }
  func.func @transform_5(%arg0: i32) -> (i32, i32) {
    %c0_i32 = arith.constant 0 : i32
    %c0_i32_0 = arith.constant 0 : i32
    %c0_i32_1 = arith.constant 0 : i32
    return %c0_i32, %c0_i32_0 : i32, i32
  }
  func.func @transform_6(%arg0: i32) -> i32 {
    %c0_i32 = arith.constant 0 : i32
    %c0_i32_0 = arith.constant 0 : i32
    return %c0_i32 : i32
  }
  func.func @transform_7(%arg0: i32) -> (i32, i32) {
    %c0_i32 = arith.constant 0 : i32
    %c0_i32_0 = arith.constant 0 : i32
    %c0_i32_1 = arith.constant 0 : i32
    return %c0_i32, %c0_i32_0 : i32, i32
  }
  func.func @transform_8(%arg0: i32) -> i32 {
    %c0_i32 = arith.constant 0 : i32
    %c0_i32_0 = arith.constant 0 : i32
    return %c0_i32 : i32
  }
  func.func @transform_9(%arg0: i32) -> (i32, i32) {
    %c0_i32 = arith.constant 0 : i32
    %c0_i32_0 = arith.constant 0 : i32
    return %c0_i32, %arg0 : i32, i32
  }
}

</mosaic_0001>

<sc_bundles>
// kernel: kernel.6.cloned.1.call-start
scs
__scs_entry_jumppad:
0x0: {  	(pc) =	sbr.rel $0x88, $3  }
0x1: {  	(tag) =	ssettag $0x0;
	lr =	simm.s32 $0x1  }
0x2: {  	[smem:$0x3F97] =	sst lr;
	_ =	strace $0xD0000000  }
0x3: {  	_ = 	snop  }
0x4: {  	_ = 	snop  }
0x5: {  	_ = 	snop  }
0x6: {  	_ = 	snop  }
0x7: {  	_ = 	snop  }
__scs_overlays_trampoline_lowered:
0x8: {  	[smem:$0x3FA6] =	sst s0  }
0x9: {  	[smem:$0x3FA7] =	sst s1  }
0xa: {  	[smem:$0x3FA8] =	sst s2  }
0xb: {  	[smem:$0x3FA9] =	sst s3  }
0xc: {  	[smem:$0x3FAA] =	sst s4  }
0xd: {  	[smem:$0x3FAB] =	sst s5  }
0xe: {  	[smem:$0x3FAC] =	sst s6  }
0xf: {  	[smem:$0x3FAD] =	sst s7  }
0x10: {  	[smem:$0x3FAE] =	sst s8  }
0x11: {  	[smem:$0x3FAF] =	sst s9;
	s0 =	simm.s32 @!p0 $0x0  }
0x12: {  	s1 =	sld [smem:$0x3F95];
	s0 =	simm.s32 @p0 $0x1  }
0x13: {  	[smem:$0x3FB0] =	sst s0;
	s0 =	simm.s32 @!p1 $0x0  }
0x14: {  	s2 =	sld [smem:$0x3F94];
	s0 =	simm.s32 @p1 $0x1  }
0x15: {  	[smem:$0x3FB1] =	sst s0;
	s0 =	simm.s32 @!p2 $0x0  }
0x16: {  	s3 =	sld [smem:$0x3FDB];
	s0 =	simm.s32 @p2 $0x1  }
0x17: {  	s4 =	simm.s32 $0x1BF5;
	[smem:$0x3FB3] =	sst s0  }
0x18: {  	s0 =	sld [smem:$0x3F96];
	_ =	swait.ge [sflag:s4], $0x0  }
0x19: {  	s7 =	sld [smem:$0x3F97]  }
0x1a: {  	s8 =	sadd.s32 $0xFFFFE003, lr  }
0x1b: {  	s9 =	sadd.s32 $0xFFFFFEF7, lr;
	s5 =	simm.s32 $0xFFFFFFFF;
	p2 =	slt.u32 s8, $0xFFFFF086  }
0x1c: {  	p1 =	slt.u32 s9, $0xF7A;
	s5 =	simm.s32 @!p2 $0x0  }
0x1d: {  	s5 =	simm.s32 @p1 $0x1;
	p0 =	seq.s32 s7, s2  }
0x1e: {  	s7 =	smul.u32 @!p0 $0xF7A, s2;
	p2 =	seq.s32 @!p0 s5, $0x0  }
0x1f: {  	s9 =	smul.u32 $0xF7A, s1;
	s8 =	simm.s32 @!p0 $0x1BF5;
	p2 =	por !p2, p0  }
0x20: {  	[sflag:s8] =	ssyncset.s32 @!p0 $0xFFFFF086;
	s6 =	sadd.s32 @!p0 s3, s7;
	s7 =	simm.s32 @!p0 $0x108  }
0x21: {  	s3 =	sadd.s32 s3, s9;
	s6 =	sadd.s32 @!p0 $0x88, s6;
	s7 =	simm.s32 @p2 $0x1082  }
0x22: {  	[simem:s7], [sflag:s8] =	dma.local @!p0 [hbm:s6], $0xF7A  }
0x23: {  	s9 =	sor.u32 $0xD0000000, s2;
	s6 =	simm.s32 $0x108;
	_ =	swait.ge @!p0 [sflag:s8], $0x0  }
0x24: {  	s3 =	sadd.s32 $0x88, s3;
	s6 =	simm.s32 @!p1 $0x1082;
	[sflag:s4] =	ssyncset.s32 $0xFFFFF086  }
0x25: {  	[simem:s6], [sflag:s4] =	dma.local [hbm:s3], $0xF7A  }
0x26: {  	[smem:$0x3F97] =	sst s1;
	(tag) =	ssettag s2;
	_ =	strace s9  }
0x27: {  	s1 =	sld [smem:$0x3FA7]  }
0x28: {  	s2 =	sld [smem:$0x3FA8]  }
0x29: {  	s4 =	sld [smem:$0x3FAA]  }
0x2a: {  	p0 =	seq.s32 s5, $0x0;
	s5 =	sld [smem:$0x3FAB]  }
0x2b: {  	s6 =	sld [smem:$0x3FAC]  }
0x2c: {  	s7 =	sld [smem:$0x3FAD]  }
0x2d: {  	s3 =	simm.s32 $0x108;
	s8 =	sld [smem:$0x3FAE]  }
0x2e: {  	s3 =	simm.s32 @!p0 $0x1082;
	s9 =	sld [smem:$0x3FAF]  }
0x2f: {  	lr =	sadd.s32 s0, s3;
	s0 =	sld [smem:$0x3FA6]  }
0x30: {  	s3 =	sld [smem:$0x3FA9]  }
0x31: {  	[smem:$0x3FB2] =	sst s10  }
0x32: {  	s10 =	sld [smem:$0x3FB0];
	_ =	sdelay $0x3  }
0x33: {  	p0 =	seq.s32 s10, $0x1;
	s10 =	sld [smem:$0x3FB2];
	_ =	sdelay $0x3  }
0x34: {  	[smem:$0x3FB2] =	sst s10  }
0x35: {  	s10 =	sld [smem:$0x3FB1];
	_ =	sdelay $0x3  }
0x36: {  	p1 =	seq.s32 s10, $0x1;
	s10 =	sld [smem:$0x3FB2];
	_ =	sdelay $0x3  }
0x37: {  	[smem:$0x3FB2] =	sst s10  }
0x38: {  	s10 =	sld [smem:$0x3FB3]  }
0x39: {  	_ = 	snop;
	(pc) =	sbr.ind lr, $3  }
0x3a: {  	_ = 	snop  }
0x3b: {  	_ = 	snop  }
0x3c: {  	p2 =	seq.s32 s10, $0x1;
	s10 =	sld [smem:$0x3FB2]  }
0x3d: {  	_ =	shalt  }
0x3e: {  	_ =	shalt  }
0x3f: {  	_ =	shalt  }
0x40: {  	_ =	shalt  }
0x41: {  	_ =	shalt  }
0x42: {  	_ =	shalt  }
0x43: {  	_ =	shalt  }
0x44: {  	_ =	shalt  }
0x45: {  	_ =	shalt  }
0x46: {  	_ =	shalt  }
0x47: {  	_ =	shalt  }
0x48: {  	_ =	shalt  }
0x49: {  	_ =	shalt  }
0x4a: {  	_ =	shalt  }
0x4b: {  	_ =	shalt  }
0x4c: {  	_ =	shalt  }
0x4d: {  	_ =	shalt  }
0x4e: {  	_ =	shalt  }
0x4f: {  	_ =	shalt  }
0x50: {  	_ =	shalt  }
0x51: {  	_ =	shalt  }
0x52: {  	_ =	shalt  }
0x53: {  	_ =	shalt  }
0x54: {  	_ =	shalt  }
0x55: {  	_ =	shalt  }
0x56: {  	_ =	shalt  }
0x57: {  	_ =	shalt  }
0x58: {  	_ =	shalt  }
0x59: {  	_ =	shalt  }
0x5a: {  	_ =	shalt  }
0x5b: {  	_ =	shalt  }
0x5c: {  	_ =	shalt  }
0x5d: {  	_ =	shalt  }
0x5e: {  	_ =	shalt  }
0x5f: {  	_ =	shalt  }
0x60: {  	_ =	shalt  }
0x61: {  	_ =	shalt  }
0x62: {  	_ =	shalt  }
0x63: {  	_ =	shalt  }
0x64: {  	_ =	shalt  }
0x65: {  	_ =	shalt  }
0x66: {  	_ =	shalt  }
0x67: {  	_ =	shalt  }
0x68: {  	_ =	shalt  }
0x69: {  	_ =	shalt  }
0x6a: {  	_ =	shalt  }
0x6b: {  	_ =	shalt  }
0x6c: {  	_ =	shalt  }
0x6d: {  	_ =	shalt  }
0x6e: {  	_ =	shalt  }
0x6f: {  	_ =	shalt  }
0x70: {  	_ =	shalt  }
0x71: {  	_ =	shalt  }
0x72: {  	_ =	shalt  }
0x73: {  	_ =	shalt  }
0x74: {  	_ =	shalt  }
0x75: {  	_ =	shalt  }
0x76: {  	_ =	shalt  }
0x77: {  	_ =	shalt  }
0x78: {  	_ =	shalt  }
0x79: {  	_ =	shalt  }
0x7a: {  	_ =	shalt  }
0x7b: {  	_ =	shalt  }
0x7c: {  	_ =	shalt  }
0x7d: {  	_ =	shalt  }
0x7e: {  	_ =	shalt  }
0x7f: {  	_ =	shalt  }
0x80: {  	_ =	shalt  }
0x81: {  	_ =	shalt  }
0x82: {  	_ =	shalt  }
0x83: {  	_ =	shalt  }
0x84: {  	_ =	shalt  }
0x85: {  	_ =	shalt  }
0x86: {  	_ =	shalt  }
0x87: {  	_ =	shalt  }
.Lfunc_end0:
.L_simem_size_0:
called_computation_lowered:
.L_overlay_start_0:
0x88: {  	s2 =	sld [smem:$0x3FD9]  }
0x89: {  	s3 =	sld [smem:$0x3FFE];
	_ =	sdelay $0x1  }
0x8a: {  	s1 =	srdreg.scid  }
0x8b: {  	s0 =	sand.u32 $0x1, s1  }
0x8c: {  	s17 =	sshll.u32 s0, $0xA;
	s2 =	sadd.s32 s3, s2  }
0x8d: {  	s2 =	sadd.s32 s2, s17  }
0x8e: {  	[smem:$0x3FBE] =	sst s2  }
0x8f: {  	_ = 	snop  }
0x90: {  	s2 =	sld [smem:$0x3FC7]  }
0x91: {  	s18 =	sld [smem:$0x3FC6];
	(tm) =	ssettm $0x1  }
0x92: {  	s4 =	sld [smem:$0x3FFB];
	_ =	sdelay $0x3  }
0x93: {  	_ =	strace s4  }
0x94: {  	s4 =	sld [smem:$0x3FFC];
	_ =	sdelay $0x3  }
0x95: {  	_ =	strace s4  }
0x96: {  	s4 =	sld [smem:$0x3FFD];
	_ =	sdelay $0x3  }
0x97: {  	_ =	strace s4  }
0x98: {  	_ =	strace $0x8FFFFFFF  }
0x99: {  	s19 =	sld [smem:$0x3FDB];
	_ =	sdelay $0x1  }
0x9a: {  	s5 =	simm.s32 $_scs_section_size  }
0x9b: {  	s6 =	simm.s32 $_size__tile_overlayer_lowered;
	s7 =	simm.s32 $_tile_overlayer_lowered  }
0x9c: {  	s22 =	simm.s32 $0x1BFF;
	s21 =	sshll.u32 s7, $0x1;
	s4 =	sadd.s32 s5, s19  }
0x9d: {  	s8 =	simm.s32 $0x0;
	s20 =	sshll.u32 s6, $0x1;
	s6 =	sadd.s32 s21, s4  }
0x9e: {  	[timem:s8], [sflag:s22] =	dma.local [hbm:s6], s20  }
0x9f: {  	_ =	swait.ge [sflag:s22], s20  }
0xa0: {  	s5 =	ssub.s32 $0x0, s20;
	[sflag:s22] =	ssyncset.done $0x0  }
0xa1: {  	[sflag:s22] =	ssyncadd.s32 s5;
	_ =	sdelay $0x1  }
0xa2: {  	s23 =	simm.s32 $0x1B8B  }
0xa3: {  	_ =	swait.ge [sflag:s23], $0x1  }
0xa4: {  	[sflag:s23] =	ssyncset.done $0x0  }
0xa5: {  	s25 =	simm.s32 $0x1B8E;
	s24 =	sld [smem:$0x3FFE];
	[sflag:s23] =	ssyncadd.s32 $0xFFFFFFFF  }
0xa6: {  	s26 =	simm.s32 $execute0_lowered;
	[smem:$0x3FD2] =	sst s25  }
0xa7: {  	s6 =	sshll.u32 s26, $0x1;
	_ =	strace $0x80000046;
	[dreg:$0x1] =	wrdreg $0xFFFFFFFF  }
0xa8: {  	s28 =	simm.s32 $_size_execute0_lowered;
	s4 =	sadd.s32 s4, s6;
	[dreg:$0x0] =	wrdreg $0x0  }
0xa9: {  	s6 =	sshll.u32 s28, $0x1;
	[dreg:$0x2] =	wrdreg s4  }
0xaa: {  	[dreg:$0x3] =	wrdreg s6  }
0xab: {  	[dreg:$0x4] =	wrdreg $0xC0  }
0xac: {  	_ =	task [dreg:s8], $0x5FFFF  }
0xad: {  	[dreg:$0x1] =	wrdreg $0xFFFFFFFF  }
0xae: {  	[dreg:$0x0] =	wrdreg $0x60  }
0xaf: {  	[dreg:$0x2] =	wrdreg s2  }
0xb0: {  	[dreg:$0x3] =	wrdreg s18  }
0xb1: {  	[dreg:$0x4] =	wrdreg s24  }
0xb2: {  	[dreg:$0x5] =	wrdreg $0x9  }
0xb3: {  	_ =	task.clear_ibuf [dreg:s8], $0x6FFFF;
	_ =	strace $0x90000046  }
0xb4: {  	s29 =	simm.s32 $0x9;
	_ =	strace $0x80000048  }
0xb5: {  	_ =	swait.ge [sflag:s29], $0x1  }
0xb6: {  	[sflag:s29] =	ssyncadd.s32 $0xFFFFFFFF  }
0xb7: {  	_ =	strace $0x90000048  }
0xb8: {  	_ =	sfence  }
0xb9: {  	s30 =	sld [smem:$0x0];
	_ =	sdelay $0x2  }
0xba: {  	s31 =	sshll.u32 s1, $0xD;
	s1 =	sshrl.u32 s1, $0x2  }
0xbb: {  	s3 =	sand.u32 $0x4000, s31;
	s1 =	sadd.s32 s1, s30  }
0xbc: {  	s0 =	sor.u32 s3, s0;
	s1 =	sshll.u32 s1, $0x11  }
0xbd: {  	s0 =	sor.u32 s1, s0  }
0xbe: {  	s0 =	sadd.s32 $0x8F2B, s0  }
0xbf: {  	[sflag:s0] =	ssyncadd.remote.s32 $0x1  }
0xc0: {  	_ =	sfence.sel $0xFFFF  }
0xc1: {  	[dreg:$0x0] =	wrdreg $0xFFFFFFFF;
	(pc) =	sbr.abs _section_cstart, $3  }
0xc2: {  	[dreg:$0x1] =	wrdreg $0xFFFFFFFF  }
0xc3: {  	_ =	task.clear_ibuf [dreg:s8], $0x2FFFF;
	_ =	strace $0x9FFFFFFF  }
0xc4: {  	(tm) =	ssettm $0x7FFFFFFF  }
0xc5: {  	_ =	shalt  }
tec
execute0_lowered:
.L_overlay_start_1:
0x0: {  	(tag) =	ssettag $0x1  }
0x1: {  	s2 =	srdreg.scid;
	s0 =	stileid.u32  }
0x2: {  	s1 =	rddreg [dreg:$0x0];
	s20 =	sand.u32 $0x1, s2;
	s31 =	sshll.u32 s0, $0x1  }
0x3: {  	s3 =	rddreg [dreg:$0x1];
	s18 =	sor.u32 s20, s31  }
0x4: {  	s17 =	rddreg [dreg:$0x2];
	s4 =	simm.s32 $0x0;
	s5 =	sshll.u32 s18, $0x5  }
0x5: {  	s6 =	simm.s32 $0x7;
	[smem:$0x7FF] =	sst s4;
	s7 =	sadd.s32 s5, s17  }
0x6: {  	s2 =	rddreg [dreg:$0x3];
	_ =	strace $0x80000047;
	s5 =	sadd.s32 $0x2E00, s7  }
0x7: {  	[tilespmem:s4], [sflag:$0x7] =	stream.linear.gather [hbm4b:s5+s4], $0x100, $0x38;
	[tilespmem:$0x10200] =	vst v63  }
0x8: {  	_ =	swait.ge [sflag:s6], $0x100  }
0x9: {  	[sflag:s6] =	ssyncset.done $0x0  }
0xa: {  	s8 =	simm.s32 $0x100;
	s7 =	sadd.s32 $0x2A00, s7;
	[sflag:s6] =	ssyncadd.s32 $0xFFFFFF00  }
0xb: {  	[tilespmem:s8], [sflag:$0x7] =	stream.linear.gather [hbm4b:s7+s4], $0x100, $0x38;
	[tilespmem:$0x10200] =	vst v63  }
0xc: {  	_ =	swait.ge [sflag:s6], $0x100  }
0xd: {  	[sflag:s6] =	ssyncset.done $0x0  }
0xe: {  	s9 =	simm.s32 $0x80;
	s10 =	simm.s32 $0x200;
	[sflag:s6] =	ssyncadd.s32 $0xFFFFFF00  }
0xf: {  	[tilespmem:s10], [sflag:$0x1] =	stream.indirect.gather [hbm4b:s1+s9], $0x80, s4, s9, $0xb8;
	[tilespmem:$0x10200] =	vst v63  }
0x10: {  	s11 =	simm.s32 $0x4200  }
0x11: {  	[tilespmem:s11], [sflag:$0x3] =	stream.indirect.gather [hbm4b:s1+s9], $0x80, s9, s9, $0xb8;
	[tilespmem:$0x10200] =	vst v63  }
0x12: {  	s12 =	simm.s32 $0x8200  }
0x13: {  	[tilespmem:s12], [sflag:$0x2] =	stream.indirect.gather [hbm4b:s3+s9], $0x80, s8, s9, $0xb8;
	[tilespmem:$0x10200] =	vst v63  }
0x14: {  	s13 =	simm.s32 $0x180;
	s14 =	simm.s32 $0xC200;
	s15 =	simm.s32 $0x1  }
0x15: {  	[tilespmem:s14], [sflag:$0x4] =	stream.indirect.gather [hbm4b:s3+s9], $0x80, s13, s9, $0xb8;
	[tilespmem:$0x10200] =	vst v63  }
0x16: {  	_ =	swait.ge [sflag:s15], $0x4000  }
0x17: {  	[sflag:s15] =	ssyncset.done $0x0  }
0x18: {  	s16 =	simm.s32 $0x3;
	[sflag:s15] =	ssyncadd.s32 $0xFFFFC000  }
0x19: {  	s18 =	sshll.u32 s18, $0xC;
	_ =	swait.ge [sflag:s16], $0x4000  }
0x1a: {  	s21 =	sadd.s32 s18, s17;
	[sflag:s16] =	ssyncset.done $0x0  }
0x1b: {  	s18 =	simm.s32 $0x2;
	s17 =	sadd.s32 $0x3200, s21;
	[sflag:s16] =	ssyncadd.s32 $0xFFFFC000  }
0x1c: {  	[hbm4b:s17+s4] =	stream.linear.scatter [tilespmem:s10], [sflag:$0x5], $0x8000, $0x38;
	[tilespmem:$0x10200] =	vst v63  }
0x1d: {  	_ =	swait.ge [sflag:s18], $0x4000  }
0x1e: {  	s22 =	ssub.s32 $0x2, s20;
	[sflag:s18] =	ssyncset.done $0x0  }
0x1f: {  	s19 =	simm.s32 $0x4;
	s23 =	sshrl.u32 s22, $0x1;
	[sflag:s18] =	ssyncadd.s32 $0xFFFFC000  }
0x20: {  	s22 =	ssub.s32 s22, s23;
	_ =	swait.ge [sflag:s19], $0x4000  }
0x21: {  	s20 =	sadd.s32 $0x23200, s21;
	s23 =	smax.u32 s22, $0x1;
	[sflag:s19] =	ssyncset.done $0x0  }
0x22: {  	s21 =	simm.s32 $0x5;
	p0 =	sne.s32 s23, $0x1;
	[sflag:s19] =	ssyncadd.s32 $0xFFFFC000  }
0x23: {  	[hbm4b:s20+s4] =	stream.linear.scatter [tilespmem:s12], [sflag:$0x6], $0x8000, $0x38;
	[tilespmem:$0x10200] =	vst v63  }
.Ltmp0:
0x24: {  	_ =	swait.ge [sflag:s21], $0x8000;
	(pc) =	sbr.rel @!p0 .LBB2_2-.Ltmp0, $4  }
0x25: {  	[sflag:s21] =	ssyncset.done $0x0  }
0x26: {  	s22 =	simm.s32 $0x6;
	[sflag:s21] =	ssyncadd.s32 $0xFFFF8000  }
0x27: {  	_ =	swait.ge [sflag:s22], $0x8000  }
0x28: {  	s23 =	sadd.s32 $0xFFFFFFFF, s23;
	[sflag:s22] =	ssyncset.done $0x0  }
.LBB2_1:
0x29: {  	p0 =	sne.s32 s23, $0x1;
	s23 =	sadd.s32 $0xFFFFFFFF, s23;
	[sflag:s22] =	ssyncadd.s32 $0xFFFF8000  }
0x2a: {  	[tilespmem:s4], [sflag:$0x7] =	stream.linear.gather [hbm4b:s5+s4], $0x100, $0x38;
	[tilespmem:$0x10200] =	vst v63  }
0x2b: {  	_ =	swait.ge [sflag:s6], $0x100  }
0x2c: {  	[sflag:s6] =	ssyncset.done $0x0  }
0x2d: {  	[sflag:s6] =	ssyncadd.s32 $0xFFFFFF00  }
0x2e: {  	[tilespmem:s8], [sflag:$0x7] =	stream.linear.gather [hbm4b:s7+s4], $0x100, $0x38;
	[tilespmem:$0x10200] =	vst v63  }
0x2f: {  	_ =	swait.ge [sflag:s6], $0x100  }
0x30: {  	[sflag:s6] =	ssyncset.done $0x0  }
0x31: {  	[sflag:s6] =	ssyncadd.s32 $0xFFFFFF00  }
0x32: {  	[tilespmem:s10], [sflag:$0x1] =	stream.indirect.gather [hbm4b:s1+s9], $0x80, s4, s9, $0xb8;
	[tilespmem:$0x10200] =	vst v63  }
0x33: {  	_ = 	snop  }
0x34: {  	[tilespmem:s11], [sflag:$0x3] =	stream.indirect.gather [hbm4b:s1+s9], $0x80, s9, s9, $0xb8;
	[tilespmem:$0x10200] =	vst v63  }
0x35: {  	_ = 	snop  }
0x36: {  	[tilespmem:s12], [sflag:$0x2] =	stream.indirect.gather [hbm4b:s3+s9], $0x80, s8, s9, $0xb8;
	[tilespmem:$0x10200] =	vst v63  }
0x37: {  	_ = 	snop  }
0x38: {  	[tilespmem:s14], [sflag:$0x4] =	stream.indirect.gather [hbm4b:s3+s9], $0x80, s13, s9, $0xb8;
	[tilespmem:$0x10200] =	vst v63  }
0x39: {  	_ =	swait.ge [sflag:s15], $0x4000  }
0x3a: {  	[sflag:s15] =	ssyncset.done $0x0  }
0x3b: {  	[sflag:s15] =	ssyncadd.s32 $0xFFFFC000  }
0x3c: {  	_ =	swait.ge [sflag:s16], $0x4000  }
0x3d: {  	[sflag:s16] =	ssyncset.done $0x0  }
0x3e: {  	[sflag:s16] =	ssyncadd.s32 $0xFFFFC000  }
0x3f: {  	[hbm4b:s17+s4] =	stream.linear.scatter [tilespmem:s10], [sflag:$0x5], $0x8000, $0x38;
	[tilespmem:$0x10200] =	vst v63  }
0x40: {  	_ =	swait.ge [sflag:s18], $0x4000  }
0x41: {  	[sflag:s18] =	ssyncset.done $0x0  }
0x42: {  	[sflag:s18] =	ssyncadd.s32 $0xFFFFC000  }
0x43: {  	_ =	swait.ge [sflag:s19], $0x4000  }
0x44: {  	[sflag:s19] =	ssyncset.done $0x0  }
0x45: {  	[sflag:s19] =	ssyncadd.s32 $0xFFFFC000  }
0x46: {  	[hbm4b:s20+s4] =	stream.linear.scatter [tilespmem:s12], [sflag:$0x6], $0x8000, $0x38;
	[tilespmem:$0x10200] =	vst v63  }
.Ltmp1:
0x47: {  	_ =	swait.ge [sflag:s21], $0x8000;
	(pc) =	sbr.rel @p0 .LBB2_1-.Ltmp1, $4  }
0x48: {  	[sflag:s21] =	ssyncset.done $0x0  }
0x49: {  	[sflag:s21] =	ssyncadd.s32 $0xFFFF8000  }
0x4a: {  	_ =	swait.ge [sflag:s22], $0x8000  }
0x4b: {  	[sflag:s22] =	ssyncset.done $0x0  }
.LBB2_2:
0x4c: {  	[sflag:s22] =	ssyncadd.s32 $0xFFFF8000  }
0x4d: {  	_ =	sfence.sel $0x180000  }
0x4e: {  	[bflag:$0x0] =	sbarrier.arrive $0xFFFF  }
0x4f: {  	p0 =	sne.s32 s0, $0x0;
	_ =	strace $0x90000047  }
0x50: {  	s0 =	sadd.s32 @!p0 $0x100000, s2;
	[bflag:$0x2] =	sbarrier.arrive $0xFFFF  }
0x51: {  	[sflag:s0] =	ssyncadd.tile.s32 @!p0 $0x1;
	_ =	shalt  }
.Lfunc_end2:
_tile_overlayer_lowered:
.L_overlay_start_2:
0x52: {  	(tag) =	ssettag $0x2  }
0x53: {  	s0 =	rddreg [dreg:$0x0];
	s2 =	stileid.u32  }
0x54: {  	s1 =	rddreg [dreg:$0x1];
	p0 =	sne.s32 s2, $0x0  }
0x55: {  	s3 =	rddreg [dreg:$0x2];
	[bflag:$0x3] =	sbarrier.arrive $0xFFFF;
	s2 =	simm.s32 @!p0 $0x1C07  }
0x56: {  	[timem:s3], [sflag:s2] =	dma.local @!p0 [hbm:s0], s1  }
0x57: {  	s0 =	simm.s32 @!p0 $0x7  }
0x58: {  	_ =	swait.ge @!p0 [sflag:s0], s1  }
0x59: {  	s1 =	ssub.s32 @!p0 $0x0, s1;
	[sflag:s0] =	ssyncset.done @!p0 $0x0  }
0x5a: {  	[sflag:s0] =	ssyncadd.s32 @!p0 s1  }
0x5b: {  	[bflag:$0x3] =	sbarrier.arrive $0xFFFF  }
0x5c: {  	_ =	shalt  }

// kernel: kernel.9.cloned.1.call-start
scs
__scs_entry_jumppad:
0x0: {  	(pc) =	sbr.rel $0x88, $3  }
0x1: {  	(tag) =	ssettag $0x0;
	lr =	simm.s32 $0x1  }
0x2: {  	[smem:$0x3F97] =	sst lr;
	_ =	strace $0xD0000000  }
0x3: {  	_ = 	snop  }
0x4: {  	_ = 	snop  }
0x5: {  	_ = 	snop  }
0x6: {  	_ = 	snop  }
0x7: {  	_ = 	snop  }
__scs_overlays_trampoline_lowered:
0x8: {  	[smem:$0x3FA6] =	sst s0  }
0x9: {  	[smem:$0x3FA7] =	sst s1  }
0xa: {  	[smem:$0x3FA8] =	sst s2  }
0xb: {  	[smem:$0x3FA9] =	sst s3  }
0xc: {  	[smem:$0x3FAA] =	sst s4  }
0xd: {  	[smem:$0x3FAB] =	sst s5  }
0xe: {  	[smem:$0x3FAC] =	sst s6  }
0xf: {  	[smem:$0x3FAD] =	sst s7  }
0x10: {  	[smem:$0x3FAE] =	sst s8  }
0x11: {  	[smem:$0x3FAF] =	sst s9;
	s0 =	simm.s32 @!p0 $0x0  }
0x12: {  	s1 =	sld [smem:$0x3F95];
	s0 =	simm.s32 @p0 $0x1  }
0x13: {  	[smem:$0x3FB0] =	sst s0;
	s0 =	simm.s32 @!p1 $0x0  }
0x14: {  	s2 =	sld [smem:$0x3F94];
	s0 =	simm.s32 @p1 $0x1  }
0x15: {  	[smem:$0x3FB1] =	sst s0;
	s0 =	simm.s32 @!p2 $0x0  }
0x16: {  	s3 =	sld [smem:$0x3FDB];
	s0 =	simm.s32 @p2 $0x1  }
0x17: {  	s4 =	simm.s32 $0x1BF5;
	[smem:$0x3FB3] =	sst s0  }
0x18: {  	s0 =	sld [smem:$0x3F96];
	_ =	swait.ge [sflag:s4], $0x0  }
0x19: {  	s7 =	sld [smem:$0x3F97]  }
0x1a: {  	s8 =	sadd.s32 $0xFFFFE003, lr  }
0x1b: {  	s9 =	sadd.s32 $0xFFFFFEF7, lr;
	s5 =	simm.s32 $0xFFFFFFFF;
	p2 =	slt.u32 s8, $0xFFFFF086  }
0x1c: {  	p1 =	slt.u32 s9, $0xF7A;
	s5 =	simm.s32 @!p2 $0x0  }
0x1d: {  	s5 =	simm.s32 @p1 $0x1;
	p0 =	seq.s32 s7, s2  }
0x1e: {  	s7 =	smul.u32 @!p0 $0xF7A, s2;
	p2 =	seq.s32 @!p0 s5, $0x0  }
0x1f: {  	s9 =	smul.u32 $0xF7A, s1;
	s8 =	simm.s32 @!p0 $0x1BF5;
	p2 =	por !p2, p0  }
0x20: {  	[sflag:s8] =	ssyncset.s32 @!p0 $0xFFFFF086;
	s6 =	sadd.s32 @!p0 s3, s7;
	s7 =	simm.s32 @!p0 $0x108  }
0x21: {  	s3 =	sadd.s32 s3, s9;
	s6 =	sadd.s32 @!p0 $0x88, s6;
	s7 =	simm.s32 @p2 $0x1082  }
0x22: {  	[simem:s7], [sflag:s8] =	dma.local @!p0 [hbm:s6], $0xF7A  }
0x23: {  	s9 =	sor.u32 $0xD0000000, s2;
	s6 =	simm.s32 $0x108;
	_ =	swait.ge @!p0 [sflag:s8], $0x0  }
0x24: {  	s3 =	sadd.s32 $0x88, s3;
	s6 =	simm.s32 @!p1 $0x1082;
	[sflag:s4] =	ssyncset.s32 $0xFFFFF086  }
0x25: {  	[simem:s6], [sflag:s4] =	dma.local [hbm:s3], $0xF7A  }
0x26: {  	[smem:$0x3F97] =	sst s1;
	(tag) =	ssettag s2;
	_ =	strace s9  }
0x27: {  	s1 =	sld [smem:$0x3FA7]  }
0x28: {  	s2 =	sld [smem:$0x3FA8]  }
0x29: {  	s4 =	sld [smem:$0x3FAA]  }
0x2a: {  	p0 =	seq.s32 s5, $0x0;
	s5 =	sld [smem:$0x3FAB]  }
0x2b: {  	s6 =	sld [smem:$0x3FAC]  }
0x2c: {  	s7 =	sld [smem:$0x3FAD]  }
0x2d: {  	s3 =	simm.s32 $0x108;
	s8 =	sld [smem:$0x3FAE]  }
0x2e: {  	s3 =	simm.s32 @!p0 $0x1082;
	s9 =	sld [smem:$0x3FAF]  }
0x2f: {  	lr =	sadd.s32 s0, s3;
	s0 =	sld [smem:$0x3FA6]  }
0x30: {  	s3 =	sld [smem:$0x3FA9]  }
0x31: {  	[smem:$0x3FB2] =	sst s10  }
0x32: {  	s10 =	sld [smem:$0x3FB0];
	_ =	sdelay $0x3  }
0x33: {  	p0 =	seq.s32 s10, $0x1;
	s10 =	sld [smem:$0x3FB2];
	_ =	sdelay $0x3  }
0x34: {  	[smem:$0x3FB2] =	sst s10  }
0x35: {  	s10 =	sld [smem:$0x3FB1];
	_ =	sdelay $0x3  }
0x36: {  	p1 =	seq.s32 s10, $0x1;
	s10 =	sld [smem:$0x3FB2];
	_ =	sdelay $0x3  }
0x37: {  	[smem:$0x3FB2] =	sst s10  }
0x38: {  	s10 =	sld [smem:$0x3FB3]  }
0x39: {  	_ = 	snop;
	(pc) =	sbr.ind lr, $3  }
0x3a: {  	_ = 	snop  }
0x3b: {  	_ = 	snop  }
0x3c: {  	p2 =	seq.s32 s10, $0x1;
	s10 =	sld [smem:$0x3FB2]  }
0x3d: {  	_ =	shalt  }
0x3e: {  	_ =	shalt  }
0x3f: {  	_ =	shalt  }
0x40: {  	_ =	shalt  }
0x41: {  	_ =	shalt  }
0x42: {  	_ =	shalt  }
0x43: {  	_ =	shalt  }
0x44: {  	_ =	shalt  }
0x45: {  	_ =	shalt  }
0x46: {  	_ =	shalt  }
0x47: {  	_ =	shalt  }
0x48: {  	_ =	shalt  }
0x49: {  	_ =	shalt  }
0x4a: {  	_ =	shalt  }
0x4b: {  	_ =	shalt  }
0x4c: {  	_ =	shalt  }
0x4d: {  	_ =	shalt  }
0x4e: {  	_ =	shalt  }
0x4f: {  	_ =	shalt  }
0x50: {  	_ =	shalt  }
0x51: {  	_ =	shalt  }
0x52: {  	_ =	shalt  }
0x53: {  	_ =	shalt  }
0x54: {  	_ =	shalt  }
0x55: {  	_ =	shalt  }
0x56: {  	_ =	shalt  }
0x57: {  	_ =	shalt  }
0x58: {  	_ =	shalt  }
0x59: {  	_ =	shalt  }
0x5a: {  	_ =	shalt  }
0x5b: {  	_ =	shalt  }
0x5c: {  	_ =	shalt  }
0x5d: {  	_ =	shalt  }
0x5e: {  	_ =	shalt  }
0x5f: {  	_ =	shalt  }
0x60: {  	_ =	shalt  }
0x61: {  	_ =	shalt  }
0x62: {  	_ =	shalt  }
0x63: {  	_ =	shalt  }
0x64: {  	_ =	shalt  }
0x65: {  	_ =	shalt  }
0x66: {  	_ =	shalt  }
0x67: {  	_ =	shalt  }
0x68: {  	_ =	shalt  }
0x69: {  	_ =	shalt  }
0x6a: {  	_ =	shalt  }
0x6b: {  	_ =	shalt  }
0x6c: {  	_ =	shalt  }
0x6d: {  	_ =	shalt  }
0x6e: {  	_ =	shalt  }
0x6f: {  	_ =	shalt  }
0x70: {  	_ =	shalt  }
0x71: {  	_ =	shalt  }
0x72: {  	_ =	shalt  }
0x73: {  	_ =	shalt  }
0x74: {  	_ =	shalt  }
0x75: {  	_ =	shalt  }
0x76: {  	_ =	shalt  }
0x77: {  	_ =	shalt  }
0x78: {  	_ =	shalt  }
0x79: {  	_ =	shalt  }
0x7a: {  	_ =	shalt  }
0x7b: {  	_ =	shalt  }
0x7c: {  	_ =	shalt  }
0x7d: {  	_ =	shalt  }
0x7e: {  	_ =	shalt  }
0x7f: {  	_ =	shalt  }
0x80: {  	_ =	shalt  }
0x81: {  	_ =	shalt  }
0x82: {  	_ =	shalt  }
0x83: {  	_ =	shalt  }
0x84: {  	_ =	shalt  }
0x85: {  	_ =	shalt  }
0x86: {  	_ =	shalt  }
0x87: {  	_ =	shalt  }
.Lfunc_end0:
.L_simem_size_0:
called_computation.1_lowered:
.L_overlay_start_0:
0x88: {  	s2 =	sld [smem:$0x3FD9]  }
0x89: {  	s3 =	sld [smem:$0x3FFE];
	_ =	sdelay $0x1  }
0x8a: {  	s1 =	srdreg.scid  }
0x8b: {  	s0 =	sand.u32 $0x1, s1  }
0x8c: {  	s17 =	sshll.u32 s0, $0xA;
	s2 =	sadd.s32 s3, s2  }
0x8d: {  	s2 =	sadd.s32 s2, s17  }
0x8e: {  	[smem:$0x3FBE] =	sst s2  }
0x8f: {  	_ = 	snop  }
0x90: {  	s18 =	sld [smem:$0x3FC7]  }
0x91: {  	s4 =	sld [smem:$0x3FC6]  }
0x92: {  	s5 =	sld [smem:$0x3FD0];
	(tm) =	ssettm $0x1  }
0x93: {  	s19 =	sld [smem:$0x3FFB];
	_ =	sdelay $0x3  }
0x94: {  	_ =	strace s19  }
0x95: {  	s2 =	sld [smem:$0x3FFC];
	_ =	sdelay $0x3  }
0x96: {  	_ =	strace s2  }
0x97: {  	s2 =	sld [smem:$0x3FFD];
	_ =	sdelay $0x3  }
0x98: {  	_ =	strace s2  }
0x99: {  	_ =	strace $0x8FFFFFFF  }
0x9a: {  	s20 =	sld [smem:$0x3FDB];
	_ =	sdelay $0x1  }
0x9b: {  	s6 =	simm.s32 $_scs_section_size  }
0x9c: {  	s7 =	simm.s32 $_size__tile_overlayer_lowered;
	s8 =	simm.s32 $_tile_overlayer_lowered  }
0x9d: {  	s9 =	simm.s32 $0x1BFF;
	s21 =	sshll.u32 s8, $0x1;
	s6 =	sadd.s32 s6, s20  }
0x9e: {  	s22 =	simm.s32 $0x0;
	s7 =	sshll.u32 s7, $0x1;
	s8 =	sadd.s32 s21, s6  }
0x9f: {  	[timem:s22], [sflag:s9] =	dma.local [hbm:s8], s7  }
0xa0: {  	_ =	swait.ge [sflag:s9], s7  }
0xa1: {  	s7 =	ssub.s32 $0x0, s7;
	[sflag:s9] =	ssyncset.done $0x0  }
0xa2: {  	[sflag:s9] =	ssyncadd.s32 s7;
	_ =	sdelay $0x1  }
0xa3: {  	s23 =	simm.s32 $0x1B8B  }
0xa4: {  	_ =	swait.ge [sflag:s23], $0x1  }
0xa5: {  	[sflag:s23] =	ssyncset.done $0x0  }
0xa6: {  	[sflag:s23] =	ssyncadd.s32 $0xFFFFFFFF  }
0xa7: {  	s7 =	sld [smem:$0x0]  }
0xa8: {  	s8 =	sand.u32 $0xFFFFFFFE, s1  }
0xa9: {  	p0 =	sne.s32 s1, s8  }
0xaa: {  	s8 =	sshll.u32 @p0 s8, $0xE  }
0xab: {  	s8 =	sadd.s32 @p0 $0x11B8D, s8;
	s9 =	sshll.u32 @p0 s7, $0x11  }
0xac: {  	s8 =	sor.u32 @p0 s9, s8  }
0xad: {  	[sflag:s8] =	ssyncadd.remote.s32 @p0 $0x1;
	_ =	sdelay $0x1  }
0xae: {  	s8 =	simm.s32 @p0 $0x1B8D  }
0xaf: {  	_ =	swait.eq @p0 [sflag:s8], $0x1  }
0xb0: {  	[sflag:s8] =	ssyncadd.s32 @p0 $0xFFFFFFFF  }
0xb1: {  	s9 =	sshll.u32 @!p0 s1, $0xE  }
0xb2: {  	s9 =	sor.u32 @!p0 $0x4000, s9;
	s8 =	simm.s32 @!p0 $0x1B8D  }
0xb3: {  	s7 =	sshll.u32 @!p0 s7, $0x11;
	s9 =	sadd.s32 @!p0 $0x11B8D, s9;
	_ =	swait.eq @!p0 [sflag:s8], $0x1  }
0xb4: {  	s7 =	sor.u32 @!p0 s7, s9;
	[sflag:s8] =	ssyncadd.s32 @!p0 $0xFFFFFFFF  }
0xb5: {  	s25 =	simm.s32 $0x1B8E;
	s24 =	sld [smem:$0x3FFE];
	[sflag:s7] =	ssyncadd.remote.s32 @!p0 $0x1  }
0xb6: {  	s26 =	simm.s32 $execute0_lowered;
	[smem:$0x3FD2] =	sst s25  }
0xb7: {  	s8 =	sshll.u32 s26, $0x1;
	_ =	strace $0x80000049;
	[dreg:$0x1] =	wrdreg $0xFFFFFFFF  }
0xb8: {  	s28 =	simm.s32 $_size_execute0_lowered;
	s6 =	sadd.s32 s6, s8;
	[dreg:$0x0] =	wrdreg $0x0  }
0xb9: {  	s8 =	sshll.u32 s28, $0x1;
	[dreg:$0x2] =	wrdreg s6  }
0xba: {  	[dreg:$0x3] =	wrdreg s8  }
0xbb: {  	[dreg:$0x4] =	wrdreg $0xC0  }
0xbc: {  	_ =	task [dreg:s22], $0x5FFFF  }
0xbd: {  	[dreg:$0x1] =	wrdreg $0xFFFFFFFF  }
0xbe: {  	[dreg:$0x0] =	wrdreg $0x60  }
0xbf: {  	[dreg:$0x2] =	wrdreg s18  }
0xc0: {  	[dreg:$0x3] =	wrdreg s4  }
0xc1: {  	[dreg:$0x4] =	wrdreg s5  }
0xc2: {  	[dreg:$0x5] =	wrdreg s24  }
0xc3: {  	[dreg:$0x6] =	wrdreg $0xA  }
0xc4: {  	_ =	task.clear_ibuf [dreg:s22], $0x7FFFF;
	_ =	strace $0x90000049  }
0xc5: {  	s29 =	simm.s32 $0xA;
	_ =	strace $0x8000004B  }
0xc6: {  	_ =	swait.ge [sflag:s29], $0x1  }
0xc7: {  	[sflag:s29] =	ssyncadd.s32 $0xFFFFFFFF  }
0xc8: {  	_ =	strace $0x9000004B  }
0xc9: {  	_ =	sfence  }
0xca: {  	s30 =	sld [smem:$0x0];
	_ =	sdelay $0x2  }
0xcb: {  	s31 =	sshll.u32 s1, $0xD;
	s1 =	sshrl.u32 s1, $0x2  }
0xcc: {  	s4 =	sand.u32 $0x4000, s31;
	s1 =	sadd.s32 s1, s30  }
0xcd: {  	s0 =	sor.u32 s4, s0;
	s1 =	sshll.u32 s1, $0x11  }
0xce: {  	s0 =	sor.u32 s1, s0  }
0xcf: {  	s0 =	sadd.s32 $0x8F2B, s0  }
0xd0: {  	[sflag:s0] =	ssyncadd.remote.s32 $0x1  }
0xd1: {  	_ =	sfence.sel $0xFFFF  }
0xd2: {  	[dreg:$0x0] =	wrdreg $0xFFFFFFFF;
	(pc) =	sbr.abs _section_cstart, $3  }
0xd3: {  	[dreg:$0x1] =	wrdreg $0xFFFFFFFF  }
0xd4: {  	_ =	task.clear_ibuf [dreg:s22], $0x2FFFF;
	_ =	strace $0x9FFFFFFF  }
0xd5: {  	(tm) =	ssettm $0x7FFFFFFF  }
tec
execute0_lowered:
.L_overlay_start_1:
0x0: {  	(tag) =	ssettag $0x1  }
0x1: {  	s1 =	rddreg [dreg:$0x0]  }
0x2: {  	s3 =	rddreg [dreg:$0x1]  }
0x3: {  	s5 =	rddreg [dreg:$0x2]  }
0x4: {  	s2 =	srdreg.scid;
	s0 =	stileid.u32  }
0x5: {  	s17 =	rddreg [dreg:$0x3];
	s20 =	sand.u32 $0x1, s2;
	s6 =	sshll.u32 s0, $0x1  }
0x6: {  	s4 =	simm.s32 $0x0;
	s2 =	rddreg [dreg:$0x4];
	s18 =	sor.u32 s20, s6  }
0x7: {  	[smem:$0x7FF] =	sst s4;
	s7 =	sshll.u32 s18, $0x5  }
0x8: {  	_ =	strace $0x8000004A;
	s6 =	simm.s32 $0x7;
	s5 =	sadd.s32 s5, s7  }
0x9: {  	[tilespmem:s4], [sflag:$0x7] =	stream.linear.gather [hbm4b:s5+s4], $0x100, $0x38;
	[tilespmem:$0x10200] =	vst v63  }
0xa: {  	_ =	swait.ge [sflag:s6], $0x100  }
0xb: {  	s7 =	sadd.s32 s7, s17;
	[sflag:s6] =	ssyncset.done $0x0  }
0xc: {  	s8 =	simm.s32 $0x100;
	s7 =	sadd.s32 $0x43200, s7;
	[sflag:s6] =	ssyncadd.s32 $0xFFFFFF00  }
0xd: {  	[tilespmem:s8], [sflag:$0x7] =	stream.linear.gather [hbm4b:s7+s4], $0x100, $0x38;
	[tilespmem:$0x10200] =	vst v63  }
0xe: {  	_ =	swait.ge [sflag:s6], $0x100  }
0xf: {  	[sflag:s6] =	ssyncset.done $0x0  }
0x10: {  	s9 =	simm.s32 $0x80;
	s10 =	simm.s32 $0x200;
	[sflag:s6] =	ssyncadd.s32 $0xFFFFFF00  }
0x11: {  	[tilespmem:s10], [sflag:$0x1] =	stream.indirect.gather [hbm4b:s1+s9], $0x80, s4, s9, $0xb8;
	[tilespmem:$0x10200] =	vst v63  }
0x12: {  	s11 =	simm.s32 $0x4200  }
0x13: {  	[tilespmem:s11], [sflag:$0x3] =	stream.indirect.gather [hbm4b:s1+s9], $0x80, s9, s9, $0xb8;
	[tilespmem:$0x10200] =	vst v63  }
0x14: {  	s12 =	simm.s32 $0x8200  }
0x15: {  	[tilespmem:s12], [sflag:$0x2] =	stream.indirect.gather [hbm4b:s3+s9], $0x80, s8, s9, $0xb8;
	[tilespmem:$0x10200] =	vst v63  }
0x16: {  	s13 =	simm.s32 $0x180;
	s14 =	simm.s32 $0xC200;
	s15 =	simm.s32 $0x1  }
0x17: {  	[tilespmem:s14], [sflag:$0x4] =	stream.indirect.gather [hbm4b:s3+s9], $0x80, s13, s9, $0xb8;
	[tilespmem:$0x10200] =	vst v63  }
0x18: {  	_ =	swait.ge [sflag:s15], $0x4000  }
0x19: {  	[sflag:s15] =	ssyncset.done $0x0  }
0x1a: {  	s16 =	simm.s32 $0x3;
	[sflag:s15] =	ssyncadd.s32 $0xFFFFC000  }
0x1b: {  	s18 =	sshll.u32 s18, $0xC;
	_ =	swait.ge [sflag:s16], $0x4000  }
0x1c: {  	s21 =	sadd.s32 s18, s17;
	[sflag:s16] =	ssyncset.done $0x0  }
0x1d: {  	s18 =	simm.s32 $0x2;
	s17 =	sadd.s32 $0x43600, s21;
	[sflag:s16] =	ssyncadd.s32 $0xFFFFC000  }
0x1e: {  	[hbm4b:s17+s4] =	stream.linear.scatter [tilespmem:s10], [sflag:$0x5], $0x8000, $0x38;
	[tilespmem:$0x10200] =	vst v63  }
0x1f: {  	_ =	swait.ge [sflag:s18], $0x4000  }
0x20: {  	s22 =	ssub.s32 $0x2, s20;
	[sflag:s18] =	ssyncset.done $0x0  }
0x21: {  	s19 =	simm.s32 $0x4;
	s23 =	sshrl.u32 s22, $0x1;
	[sflag:s18] =	ssyncadd.s32 $0xFFFFC000  }
0x22: {  	s22 =	ssub.s32 s22, s23;
	_ =	swait.ge [sflag:s19], $0x4000  }
0x23: {  	s20 =	sadd.s32 $0x63600, s21;
	s23 =	smax.u32 s22, $0x1;
	[sflag:s19] =	ssyncset.done $0x0  }
0x24: {  	s21 =	simm.s32 $0x5;
	p0 =	sne.s32 s23, $0x1;
	[sflag:s19] =	ssyncadd.s32 $0xFFFFC000  }
0x25: {  	[hbm4b:s20+s4] =	stream.linear.scatter [tilespmem:s12], [sflag:$0x6], $0x8000, $0x38;
	[tilespmem:$0x10200] =	vst v63  }
.Ltmp0:
0x26: {  	_ =	swait.ge [sflag:s21], $0x8000;
	(pc) =	sbr.rel @!p0 .LBB2_2-.Ltmp0, $4  }
0x27: {  	[sflag:s21] =	ssyncset.done $0x0  }
0x28: {  	s22 =	simm.s32 $0x6;
	[sflag:s21] =	ssyncadd.s32 $0xFFFF8000  }
0x29: {  	_ =	swait.ge [sflag:s22], $0x8000  }
0x2a: {  	s23 =	sadd.s32 $0xFFFFFFFF, s23;
	[sflag:s22] =	ssyncset.done $0x0  }
.LBB2_1:
0x2b: {  	p0 =	sne.s32 s23, $0x1;
	s23 =	sadd.s32 $0xFFFFFFFF, s23;
	[sflag:s22] =	ssyncadd.s32 $0xFFFF8000  }
0x2c: {  	[tilespmem:s4], [sflag:$0x7] =	stream.linear.gather [hbm4b:s5+s4], $0x100, $0x38;
	[tilespmem:$0x10200] =	vst v63  }
0x2d: {  	_ =	swait.ge [sflag:s6], $0x100  }
0x2e: {  	[sflag:s6] =	ssyncset.done $0x0  }
0x2f: {  	[sflag:s6] =	ssyncadd.s32 $0xFFFFFF00  }
0x30: {  	[tilespmem:s8], [sflag:$0x7] =	stream.linear.gather [hbm4b:s7+s4], $0x100, $0x38;
	[tilespmem:$0x10200] =	vst v63  }
0x31: {  	_ =	swait.ge [sflag:s6], $0x100  }
0x32: {  	[sflag:s6] =	ssyncset.done $0x0  }
0x33: {  	[sflag:s6] =	ssyncadd.s32 $0xFFFFFF00  }
0x34: {  	[tilespmem:s10], [sflag:$0x1] =	stream.indirect.gather [hbm4b:s1+s9], $0x80, s4, s9, $0xb8;
	[tilespmem:$0x10200] =	vst v63  }
0x35: {  	_ = 	snop  }
0x36: {  	[tilespmem:s11], [sflag:$0x3] =	stream.indirect.gather [hbm4b:s1+s9], $0x80, s9, s9, $0xb8;
	[tilespmem:$0x10200] =	vst v63  }
0x37: {  	_ = 	snop  }
0x38: {  	[tilespmem:s12], [sflag:$0x2] =	stream.indirect.gather [hbm4b:s3+s9], $0x80, s8, s9, $0xb8;
	[tilespmem:$0x10200] =	vst v63  }
0x39: {  	_ = 	snop  }
0x3a: {  	[tilespmem:s14], [sflag:$0x4] =	stream.indirect.gather [hbm4b:s3+s9], $0x80, s13, s9, $0xb8;
	[tilespmem:$0x10200] =	vst v63  }
0x3b: {  	_ =	swait.ge [sflag:s15], $0x4000  }
0x3c: {  	[sflag:s15] =	ssyncset.done $0x0  }
0x3d: {  	[sflag:s15] =	ssyncadd.s32 $0xFFFFC000  }
0x3e: {  	_ =	swait.ge [sflag:s16], $0x4000  }
0x3f: {  	[sflag:s16] =	ssyncset.done $0x0  }
0x40: {  	[sflag:s16] =	ssyncadd.s32 $0xFFFFC000  }
0x41: {  	[hbm4b:s17+s4] =	stream.linear.scatter [tilespmem:s10], [sflag:$0x5], $0x8000, $0x38;
	[tilespmem:$0x10200] =	vst v63  }
0x42: {  	_ =	swait.ge [sflag:s18], $0x4000  }
0x43: {  	[sflag:s18] =	ssyncset.done $0x0  }
0x44: {  	[sflag:s18] =	ssyncadd.s32 $0xFFFFC000  }
0x45: {  	_ =	swait.ge [sflag:s19], $0x4000  }
0x46: {  	[sflag:s19] =	ssyncset.done $0x0  }
0x47: {  	[sflag:s19] =	ssyncadd.s32 $0xFFFFC000  }
0x48: {  	[hbm4b:s20+s4] =	stream.linear.scatter [tilespmem:s12], [sflag:$0x6], $0x8000, $0x38;
	[tilespmem:$0x10200] =	vst v63  }
.Ltmp1:
0x49: {  	_ =	swait.ge [sflag:s21], $0x8000;
	(pc) =	sbr.rel @p0 .LBB2_1-.Ltmp1, $4  }
0x4a: {  	[sflag:s21] =	ssyncset.done $0x0  }
0x4b: {  	[sflag:s21] =	ssyncadd.s32 $0xFFFF8000  }
0x4c: {  	_ =	swait.ge [sflag:s22], $0x8000  }
0x4d: {  	[sflag:s22] =	ssyncset.done $0x0  }
.LBB2_2:
0x4e: {  	[sflag:s22] =	ssyncadd.s32 $0xFFFF8000  }
0x4f: {  	_ =	sfence.sel $0x180000  }
0x50: {  	[bflag:$0x0] =	sbarrier.arrive $0xFFFF  }
0x51: {  	p0 =	sne.s32 s0, $0x0;
	_ =	strace $0x9000004A  }
0x52: {  	s0 =	sadd.s32 @!p0 $0x100000, s2;
	[bflag:$0x2] =	sbarrier.arrive $0xFFFF  }
0x53: {  	[sflag:s0] =	ssyncadd.tile.s32 @!p0 $0x1;
	_ =	shalt  }
.Lfunc_end2:
_tile_overlayer_lowered:
.L_overlay_start_2:
0x54: {  	(tag) =	ssettag $0x2  }
0x55: {  	s0 =	rddreg [dreg:$0x0];
	s2 =	stileid.u32  }
0x56: {  	s1 =	rddreg [dreg:$0x1];
	p0 =	sne.s32 s2, $0x0  }
0x57: {  	s3 =	rddreg [dreg:$0x2];
	[bflag:$0x3] =	sbarrier.arrive $0xFFFF;
	s2 =	simm.s32 @!p0 $0x1C07  }
0x58: {  	[timem:s3], [sflag:s2] =	dma.local @!p0 [hbm:s0], s1  }
0x59: {  	s0 =	simm.s32 @!p0 $0x7  }
0x5a: {  	_ =	swait.ge @!p0 [sflag:s0], s1  }
0x5b: {  	s1 =	ssub.s32 @!p0 $0x0, s1;
	[sflag:s0] =	ssyncset.done @!p0 $0x0  }
0x5c: {  	[sflag:s0] =	ssyncadd.s32 @!p0 s1  }
0x5d: {  	[bflag:$0x3] =	sbarrier.arrive $0xFFFF  }
0x5e: {  	_ =	shalt  }

</sc_bundles>
